<compile_context>
chip_gen: v7x
topology: tpu7x:2x2x1
jax: 0.10.2.dev20260603
libtpu: 0.0.44.dev20260713+nightly
codegen_flags: <defaults>
</compile_context>

<pallas_src>
import functools

import jax
import jax.numpy as jnp
from jax import lax
from jax.experimental import pallas as pl
from jax.experimental.pallas import tpu as pltpu
from jax.experimental.pallas import tpu_sc as plsc

D_MODEL = 1024
N_ROWS = 13
BATCH = 16384
NUM_SUBCORES = 16
GROUPS_C0 = 30
GROUPS_C1 = 34
ROWS_C0 = GROUPS_C0 * 16
ROWS_C1 = GROUPS_C1 * 16
assert (ROWS_C0 + ROWS_C1) * NUM_SUBCORES == BATCH

_mesh = plsc.VectorSubcoreMesh(core_axis_name="c", subcore_axis_name="s")


@functools.partial(
    pl.kernel,
    mesh=_mesh,
    out_type=jax.ShapeDtypeStruct((BATCH, D_MODEL), jnp.float32),
    compiler_params=pltpu.CompilerParams(use_tc_tiling_on_sc=False),
    scratch_types=[
        pltpu.VMEM((ROWS_C1,), jnp.int32),
        pltpu.VMEM((N_ROWS, D_MODEL), jnp.float32),
        pltpu.VMEM((16, D_MODEL), jnp.float32),
        pltpu.SemaphoreType.DMA,
    ],
)
def _emb_lookup(weeks_hbm, table_hbm, out_hbm, idx_v, table_v, drain_v, sem):
    c = lax.axis_index("c")
    s = lax.axis_index("s")
    is_c0 = c == 0
    base = jnp.where(is_c0, s * ROWS_C0, NUM_SUBCORES * ROWS_C0 + s * ROWS_C1)
    n_groups = jnp.where(is_c0, GROUPS_C0, GROUPS_C1)
    pltpu.sync_copy(table_hbm, table_v)
    pltpu.sync_copy(weeks_hbm.at[pl.ds(base, ROWS_C1)], idx_v)

    def issue(g, carry):
        v = idx_v[pl.ds(g * 16, 16)]
        for j in range(16):
            pltpu.async_copy(
                table_v.at[pl.ds(v[j], 1)],
                out_hbm.at[pl.ds(base + g * 16 + j, 1)],
                sem,
            )
        return carry

    lax.fori_loop(0, n_groups, issue, 0)

    def drain(g, carry):
        pltpu.make_async_copy(drain_v, out_hbm.at[pl.ds(base, 16)], sem).wait()
        return carry

    lax.fori_loop(0, n_groups, drain, 0)


def kernel(weeks, table):
    out = _emb_lookup(weeks.astype(jnp.int32), table)
    return out[:, None, :]

# --- scband reference (transcript-rebuilt; emitter-appended) ---
"""Pipeline reference for scband-discrete-temporal-embedding-10333691314237 (READ-ONLY COPY).

The authoritative reference and input builder live on the scoring server;
editing this copy changes nothing except your own understanding.
"""

import jax, jax.numpy as jnp
import numpy as np

D_MODEL = 1024
MAX_WEEKS = 12
BATCH = 16384


def setup_inputs(seed: int = 0) -> dict:
    key = jax.random.key(seed)
    k_idx, k_tab = jax.random.split(key)
    weeks = jax.random.randint(k_idx, (BATCH,), 0, MAX_WEEKS + 1, dtype=jnp.int64 if jax.config.read('jax_enable_x64') else jnp.int32)
    table = jax.random.normal(k_tab, (MAX_WEEKS + 1, D_MODEL), dtype=jnp.float32) * 0.02
    return {"weeks": weeks, "table": table}


def reference(weeks, table):
    # nn.Embedding lookup followed by unsqueeze(1): (B,) -> (B, 1, d_model)
    emb = jnp.take(table, weeks, axis=0)
    return emb[:, None, :]

if __name__ == "__main__":
    import jax
    _d = setup_inputs()
    print(jax.jit(kernel)(*tuple(_d.values())))

</pallas_src>

<mosaic_0001>
#map = affine_map<(d0, d1) -> (0)>
#map1 = affine_map<(d0, d1) -> (0, 0)>
module attributes {stable_mosaic.version = 14 : i64} {
  func.func @_emb_lookup(%arg0: i32, %arg1: i32, %arg2: memref<16384xi32, #tpu.memory_space<hbm>>, %arg3: memref<13x1024xf32, #tpu.memory_space<hbm>>, %arg4: memref<16384x1024xf32, #tpu.memory_space<hbm>>, %arg5: memref<544xi32, #tpu.memory_space<vmem>>, %arg6: memref<13x1024xf32, #tpu.memory_space<vmem>>, %arg7: memref<16x1024xf32, #tpu.memory_space<vmem>>, %arg8: memref<!tpu.dma_semaphore, #tpu.memory_space<semaphore_mem>>) attributes {dimension_semantics = [#tpu.dimension_semantics<core_parallel>, #tpu.dimension_semantics<subcore_parallel>], iteration_bounds = array<i64: 2, 16>, scalar_prefetch = 0 : i64, scratch_operands = 4 : i64, tpu.core_type = #tpu.core_type<sc_vector_subcore>, window_params = [{transform_indices = #map}, {transform_indices = #map1}, {transform_indices = #map1}]} {
    %eq3A = arith.constant 0 : i32
    %eq3A_0 = arith.cmpi eq, %arg0, %eq3A : i32
    %mul3A = arith.constant 480 : i32
    %mul3A_1 = arith.muli %arg1, %mul3A : i32
    %mul3A_2 = arith.constant 544 : i32
    %mul3A_3 = arith.muli %arg1, %mul3A_2 : i32
    %add3A = arith.constant 7680 : i32
    %add3A_4 = arith.addi %add3A, %mul3A_3 : i32
    %select_n3A = arith.select %eq3A_0, %mul3A_1, %add3A_4 : i32
    %jit3A = arith.constant 30 : i32
    %jit3A_5 = arith.constant 34 : i32
    %select_n3A_6 = arith.select %eq3A_0, %jit3A, %jit3A_5 : i32
    "tpu.region"() ({
      %run_scoped3A = tpu.sem_alloc : memref<!tpu.dma_semaphore, #tpu.memory_space<semaphore_mem>>
      tpu.enqueue_dma source(%arg3 : memref<13x1024xf32, #tpu.memory_space<hbm>>) target(%arg6 : memref<13x1024xf32, #tpu.memory_space<vmem>>) target_semaphore(%run_scoped3A : memref<!tpu.dma_semaphore, #tpu.memory_space<semaphore_mem>>)
      tpu.wait_dma2 semaphore(%run_scoped3A : memref<!tpu.dma_semaphore, #tpu.memory_space<semaphore_mem>>) src(%arg3 : memref<13x1024xf32, #tpu.memory_space<hbm>>) dst(%arg6 : memref<13x1024xf32, #tpu.memory_space<vmem>>)
      tpu.yield
    }) : () -> ()
    "tpu.region"() ({
      %run_scoped3A = tpu.sem_alloc : memref<!tpu.dma_semaphore, #tpu.memory_space<semaphore_mem>>
      %dma_start3A = tpu.memref_slice %arg2[%select_n3A] : memref<16384xi32, #tpu.memory_space<hbm>> -> memref<544xi32, #tpu.memory_space<hbm>>
      %dma_start3A_26 = tpu.memref_slice %arg2[%select_n3A] : memref<16384xi32, #tpu.memory_space<hbm>> -> memref<544xi32, #tpu.memory_space<hbm>>
      tpu.enqueue_dma source(%dma_start3A_26 : memref<544xi32, #tpu.memory_space<hbm>>) target(%arg5 : memref<544xi32, #tpu.memory_space<vmem>>) target_semaphore(%run_scoped3A : memref<!tpu.dma_semaphore, #tpu.memory_space<semaphore_mem>>)
      %dma_wait3A = tpu.memref_slice %arg2[%select_n3A] : memref<16384xi32, #tpu.memory_space<hbm>> -> memref<544xi32, #tpu.memory_space<hbm>>
      %dma_wait3A_27 = tpu.memref_slice %arg2[%select_n3A] : memref<16384xi32, #tpu.memory_space<hbm>> -> memref<544xi32, #tpu.memory_space<hbm>>
      tpu.wait_dma2 semaphore(%run_scoped3A : memref<!tpu.dma_semaphore, #tpu.memory_space<semaphore_mem>>) src(%dma_wait3A_27 : memref<544xi32, #tpu.memory_space<hbm>>) dst(%arg5 : memref<544xi32, #tpu.memory_space<vmem>>)
      tpu.yield
    }) : () -> ()
    %while3A = arith.constant 0 : i32
    %while3A_7 = arith.constant 0 : i32
    %while3A_8 = arith.subi %select_n3A_6, %while3A_7 : i32
    %while3A_9 = arith.addi %while3A_7, %while3A_8 : i32
    %while3A_10 = arith.constant 1 : i32
    %while3A_11 = arith.divsi %while3A_8, %while3A_10 : i32
    %while3A_12 = arith.muli %while3A_11, %while3A_10 : i32
    %while3A_13 = arith.addi %while3A_7, %while3A_12 : i32
    %while3A_14 = arith.constant 1 : i32
    scf.for %while3A_26 = %while3A_7 to %while3A_13 step %while3A_14  : i32 {
      %mul3A_27 = arith.constant 16 : i32
      %mul3A_28 = arith.muli %while3A_26, %mul3A_27 : i32
      %get3A = arith.index_cast %mul3A_28 : i32 to index
      %get3A_29 = tpu.vector_load %arg5[%get3A] {strides = array<i32>} : memref<544xi32, #tpu.memory_space<vmem>>, vector<16xi32>,
      %get3A_30 = vector.shape_cast %get3A_29 : vector<16xi32> to vector<16xi32>
      %slice3A = vector.extract_strided_slice %get3A_30 {offsets = [0], sizes = [1], strides = [1]} : vector<16xi32> to vector<1xi32>
      %squeeze3A = vector.extract %slice3A[0] : i32 from vector<1xi32>
      %mul3A_31 = arith.constant 16 : i32
      %mul3A_32 = arith.muli %while3A_26, %mul3A_31 : i32
      %add3A_33 = arith.addi %select_n3A, %mul3A_32 : i32
      %add3A_34 = arith.constant 0 : i32
      %add3A_35 = arith.addi %add3A_33, %add3A_34 : i32
      %dma_start3A = arith.constant 0 : i32
      %dma_start3A_36 = tpu.memref_slice %arg6[%squeeze3A, %dma_start3A] : memref<13x1024xf32, #tpu.memory_space<vmem>> -> memref<1x1024xf32, #tpu.memory_space<vmem>>
      %dma_start3A_37 = arith.constant 0 : i32
      %dma_start3A_38 = tpu.memref_slice %arg4[%add3A_35, %dma_start3A_37] : memref<16384x1024xf32, #tpu.memory_space<hbm>> -> memref<1x1024xf32, #tpu.memory_space<hbm>>
      %dma_start3A_39 = arith.constant 0 : i32
      %dma_start3A_40 = tpu.memref_slice %arg4[%add3A_35, %dma_start3A_39] : memref<16384x1024xf32, #tpu.memory_space<hbm>> -> memref<1x1024xf32, #tpu.memory_space<hbm>>
      %dma_start3A_41 = arith.constant 0 : i32
      %dma_start3A_42 = tpu.memref_slice %arg6[%squeeze3A, %dma_start3A_41] : memref<13x1024xf32, #tpu.memory_space<vmem>> -> memref<1x1024xf32, #tpu.memory_space<vmem>>
      tpu.enqueue_dma source(%dma_start3A_42 : memref<1x1024xf32, #tpu.memory_space<vmem>>) target(%dma_start3A_40 : memref<1x1024xf32, #tpu.memory_space<hbm>>) target_semaphore(%arg8 : memref<!tpu.dma_semaphore, #tpu.memory_space<semaphore_mem>>)
      %slice3A_43 = vector.extract_strided_slice %get3A_30 {offsets = [1], sizes = [1], strides = [1]} : vector<16xi32> to vector<1xi32>
      %squeeze3A_44 = vector.extract %slice3A_43[0] : i32 from vector<1xi32>
      %mul3A_45 = arith.constant 16 : i32
      %mul3A_46 = arith.muli %while3A_26, %mul3A_45 : i32
      %add3A_47 = arith.addi %select_n3A, %mul3A_46 : i32
      %add3A_48 = arith.constant 1 : i32
      %add3A_49 = arith.addi %add3A_47, %add3A_48 : i32
      %dma_start3A_50 = arith.constant 0 : i32
      %dma_start3A_51 = tpu.memref_slice %arg6[%squeeze3A_44, %dma_start3A_50] : memref<13x1024xf32, #tpu.memory_space<vmem>> -> memref<1x1024xf32, #tpu.memory_space<vmem>>
      %dma_start3A_52 = arith.constant 0 : i32
      %dma_start3A_53 = tpu.memref_slice %arg4[%add3A_49, %dma_start3A_52] : memref<16384x1024xf32, #tpu.memory_space<hbm>> -> memref<1x1024xf32, #tpu.memory_space<hbm>>
      %dma_start3A_54 = arith.constant 0 : i32
      %dma_start3A_55 = tpu.memref_slice %arg4[%add3A_49, %dma_start3A_54] : memref<16384x1024xf32, #tpu.memory_space<hbm>> -> memref<1x1024xf32, #tpu.memory_space<hbm>>
      %dma_start3A_56 = arith.constant 0 : i32
      %dma_start3A_57 = tpu.memref_slice %arg6[%squeeze3A_44, %dma_start3A_56] : memref<13x1024xf32, #tpu.memory_space<vmem>> -> memref<1x1024xf32, #tpu.memory_space<vmem>>
      tpu.enqueue_dma source(%dma_start3A_57 : memref<1x1024xf32, #tpu.memory_space<vmem>>) target(%dma_start3A_55 : memref<1x1024xf32, #tpu.memory_space<hbm>>) target_semaphore(%arg8 : memref<!tpu.dma_semaphore, #tpu.memory_space<semaphore_mem>>)
      %slice3A_58 = vector.extract_strided_slice %get3A_30 {offsets = [2], sizes = [1], strides = [1]} : vector<16xi32> to vector<1xi32>
      %squeeze3A_59 = vector.extract %slice3A_58[0] : i32 from vector<1xi32>
      %mul3A_60 = arith.constant 16 : i32
      %mul3A_61 = arith.muli %while3A_26, %mul3A_60 : i32
      %add3A_62 = arith.addi %select_n3A, %mul3A_61 : i32
      %add3A_63 = arith.constant 2 : i32
      %add3A_64 = arith.addi %add3A_62, %add3A_63 : i32
      %dma_start3A_65 = arith.constant 0 : i32
      %dma_start3A_66 = tpu.memref_slice %arg6[%squeeze3A_59, %dma_start3A_65] : memref<13x1024xf32, #tpu.memory_space<vmem>> -> memref<1x1024xf32, #tpu.memory_space<vmem>>
      %dma_start3A_67 = arith.constant 0 : i32
      %dma_start3A_68 = tpu.memref_slice %arg4[%add3A_64, %dma_start3A_67] : memref<16384x1024xf32, #tpu.memory_space<hbm>> -> memref<1x1024xf32, #tpu.memory_space<hbm>>
      %dma_start3A_69 = arith.constant 0 : i32
      %dma_start3A_70 = tpu.memref_slice %arg4[%add3A_64, %dma_start3A_69] : memref<16384x1024xf32, #tpu.memory_space<hbm>> -> memref<1x1024xf32, #tpu.memory_space<hbm>>
      %dma_start3A_71 = arith.constant 0 : i32
      %dma_start3A_72 = tpu.memref_slice %arg6[%squeeze3A_59, %dma_start3A_71] : memref<13x1024xf32, #tpu.memory_space<vmem>> -> memref<1x1024xf32, #tpu.memory_space<vmem>>
      tpu.enqueue_dma source(%dma_start3A_72 : memref<1x1024xf32, #tpu.memory_space<vmem>>) target(%dma_start3A_70 : memref<1x1024xf32, #tpu.memory_space<hbm>>) target_semaphore(%arg8 : memref<!tpu.dma_semaphore, #tpu.memory_space<semaphore_mem>>)
      %slice3A_73 = vector.extract_strided_slice %get3A_30 {offsets = [3], sizes = [1], strides = [1]} : vector<16xi32> to vector<1xi32>
      %squeeze3A_74 = vector.extract %slice3A_73[0] : i32 from vector<1xi32>
      %mul3A_75 = arith.constant 16 : i32
      %mul3A_76 = arith.muli %while3A_26, %mul3A_75 : i32
      %add3A_77 = arith.addi %select_n3A, %mul3A_76 : i32
      %add3A_78 = arith.constant 3 : i32
      %add3A_79 = arith.addi %add3A_77, %add3A_78 : i32
      %dma_start3A_80 = arith.constant 0 : i32
      %dma_start3A_81 = tpu.memref_slice %arg6[%squeeze3A_74, %dma_start3A_80] : memref<13x1024xf32, #tpu.memory_space<vmem>> -> memref<1x1024xf32, #tpu.memory_space<vmem>>
      %dma_start3A_82 = arith.constant 0 : i32
      %dma_start3A_83 = tpu.memref_slice %arg4[%add3A_79, %dma_start3A_82] : memref<16384x1024xf32, #tpu.memory_space<hbm>> -> memref<1x1024xf32, #tpu.memory_space<hbm>>
      %dma_start3A_84 = arith.constant 0 : i32
      %dma_start3A_85 = tpu.memref_slice %arg4[%add3A_79, %dma_start3A_84] : memref<16384x1024xf32, #tpu.memory_space<hbm>> -> memref<1x1024xf32, #tpu.memory_space<hbm>>
      %dma_start3A_86 = arith.constant 0 : i32
      %dma_start3A_87 = tpu.memref_slice %arg6[%squeeze3A_74, %dma_start3A_86] : memref<13x1024xf32, #tpu.memory_space<vmem>> -> memref<1x1024xf32, #tpu.memory_space<vmem>>
      tpu.enqueue_dma source(%dma_start3A_87 : memref<1x1024xf32, #tpu.memory_space<vmem>>) target(%dma_start3A_85 : memref<1x1024xf32, #tpu.memory_space<hbm>>) target_semaphore(%arg8 : memref<!tpu.dma_semaphore, #tpu.memory_space<semaphore_mem>>)
      %slice3A_88 = vector.extract_strided_slice %get3A_30 {offsets = [4], sizes = [1], strides = [1]} : vector<16xi32> to vector<1xi32>
      %squeeze3A_89 = vector.extract %slice3A_88[0] : i32 from vector<1xi32>
      %mul3A_90 = arith.constant 16 : i32
      %mul3A_91 = arith.muli %while3A_26, %mul3A_90 : i32
      %add3A_92 = arith.addi %select_n3A, %mul3A_91 : i32
      %add3A_93 = arith.constant 4 : i32
      %add3A_94 = arith.addi %add3A_92, %add3A_93 : i32
      %dma_start3A_95 = arith.constant 0 : i32
      %dma_start3A_96 = tpu.memref_slice %arg6[%squeeze3A_89, %dma_start3A_95] : memref<13x1024xf32, #tpu.memory_space<vmem>> -> memref<1x1024xf32, #tpu.memory_space<vmem>>
      %dma_start3A_97 = arith.constant 0 : i32
      %dma_start3A_98 = tpu.memref_slice %arg4[%add3A_94, %dma_start3A_97] : memref<16384x1024xf32, #tpu.memory_space<hbm>> -> memref<1x1024xf32, #tpu.memory_space<hbm>>
      %dma_start3A_99 = arith.constant 0 : i32
      %dma_start3A_100 = tpu.memref_slice %arg4[%add3A_94, %dma_start3A_99] : memref<16384x1024xf32, #tpu.memory_space<hbm>> -> memref<1x1024xf32, #tpu.memory_space<hbm>>
      %dma_start3A_101 = arith.constant 0 : i32
      %dma_start3A_102 = tpu.memref_slice %arg6[%squeeze3A_89, %dma_start3A_101] : memref<13x1024xf32, #tpu.memory_space<vmem>> -> memref<1x1024xf32, #tpu.memory_space<vmem>>
      tpu.enqueue_dma source(%dma_start3A_102 : memref<1x1024xf32, #tpu.memory_space<vmem>>) target(%dma_start3A_100 : memref<1x1024xf32, #tpu.memory_space<hbm>>) target_semaphore(%arg8 : memref<!tpu.dma_semaphore, #tpu.memory_space<semaphore_mem>>)
      %slice3A_103 = vector.extract_strided_slice %get3A_30 {offsets = [5], sizes = [1], strides = [1]} : vector<16xi32> to vector<1xi32>
      %squeeze3A_104 = vector.extract %slice3A_103[0] : i32 from vector<1xi32>
      %mul3A_105 = arith.constant 16 : i32
      %mul3A_106 = arith.muli %while3A_26, %mul3A_105 : i32
      %add3A_107 = arith.addi %select_n3A, %mul3A_106 : i32
      %add3A_108 = arith.constant 5 : i32
      %add3A_109 = arith.addi %add3A_107, %add3A_108 : i32
      %dma_start3A_110 = arith.constant 0 : i32
      %dma_start3A_111 = tpu.memref_slice %arg6[%squeeze3A_104, %dma_start3A_110] : memref<13x1024xf32, #tpu.memory_space<vmem>> -> memref<1x1024xf32, #tpu.memory_space<vmem>>
      %dma_start3A_112 = arith.constant 0 : i32
      %dma_start3A_113 = tpu.memref_slice %arg4[%add3A_109, %dma_start3A_112] : memref<16384x1024xf32, #tpu.memory_space<hbm>> -> memref<1x1024xf32, #tpu.memory_space<hbm>>
      %dma_start3A_114 = arith.constant 0 : i32
      %dma_start3A_115 = tpu.memref_slice %arg4[%add3A_109, %dma_start3A_114] : memref<16384x1024xf32, #tpu.memory_space<hbm>> -> memref<1x1024xf32, #tpu.memory_space<hbm>>
      %dma_start3A_116 = arith.constant 0 : i32
      %dma_start3A_117 = tpu.memref_slice %arg6[%squeeze3A_104, %dma_start3A_116] : memref<13x1024xf32, #tpu.memory_space<vmem>> -> memref<1x1024xf32, #tpu.memory_space<vmem>>
      tpu.enqueue_dma source(%dma_start3A_117 : memref<1x1024xf32, #tpu.memory_space<vmem>>) target(%dma_start3A_115 : memref<1x1024xf32, #tpu.memory_space<hbm>>) target_semaphore(%arg8 : memref<!tpu.dma_semaphore, #tpu.memory_space<semaphore_mem>>)
      %slice3A_118 = vector.extract_strided_slice %get3A_30 {offsets = [6], sizes = [1], strides = [1]} : vector<16xi32> to vector<1xi32>
      %squeeze3A_119 = vector.extract %slice3A_118[0] : i32 from vector<1xi32>
      %mul3A_120 = arith.constant 16 : i32
      %mul3A_121 = arith.muli %while3A_26, %mul3A_120 : i32
      %add3A_122 = arith.addi %select_n3A, %mul3A_121 : i32
      %add3A_123 = arith.constant 6 : i32
      %add3A_124 = arith.addi %add3A_122, %add3A_123 : i32
      %dma_start3A_125 = arith.constant 0 : i32
      %dma_start3A_126 = tpu.memref_slice %arg6[%squeeze3A_119, %dma_start3A_125] : memref<13x1024xf32, #tpu.memory_space<vmem>> -> memref<1x1024xf32, #tpu.memory_space<vmem>>
      %dma_start3A_127 = arith.constant 0 : i32
      %dma_start3A_128 = tpu.memref_slice %arg4[%add3A_124, %dma_start3A_127] : memref<16384x1024xf32, #tpu.memory_space<hbm>> -> memref<1x1024xf32, #tpu.memory_space<hbm>>
      %dma_start3A_129 = arith.constant 0 : i32
      %dma_start3A_130 = tpu.memref_slice %arg4[%add3A_124, %dma_start3A_129] : memref<16384x1024xf32, #tpu.memory_space<hbm>> -> memref<1x1024xf32, #tpu.memory_space<hbm>>
      %dma_start3A_131 = arith.constant 0 : i32
      %dma_start3A_132 = tpu.memref_slice %arg6[%squeeze3A_119, %dma_start3A_131] : memref<13x1024xf32, #tpu.memory_space<vmem>> -> memref<1x1024xf32, #tpu.memory_space<vmem>>
      tpu.enqueue_dma source(%dma_start3A_132 : memref<1x1024xf32, #tpu.memory_space<vmem>>) target(%dma_start3A_130 : memref<1x1024xf32, #tpu.memory_space<hbm>>) target_semaphore(%arg8 : memref<!tpu.dma_semaphore, #tpu.memory_space<semaphore_mem>>)
      %slice3A_133 = vector.extract_strided_slice %get3A_30 {offsets = [7], sizes = [1], strides = [1]} : vector<16xi32> to vector<1xi32>
      %squeeze3A_134 = vector.extract %slice3A_133[0] : i32 from vector<1xi32>
      %mul3A_135 = arith.constant 16 : i32
      %mul3A_136 = arith.muli %while3A_26, %mul3A_135 : i32
      %add3A_137 = arith.addi %select_n3A, %mul3A_136 : i32
      %add3A_138 = arith.constant 7 : i32
      %add3A_139 = arith.addi %add3A_137, %add3A_138 : i32
      %dma_start3A_140 = arith.constant 0 : i32
      %dma_start3A_141 = tpu.memref_slice %arg6[%squeeze3A_134, %dma_start3A_140] : memref<13x1024xf32, #tpu.memory_space<vmem>> -> memref<1x1024xf32, #tpu.memory_space<vmem>>
      %dma_start3A_142 = arith.constant 0 : i32
      %dma_start3A_143 = tpu.memref_slice %arg4[%add3A_139, %dma_start3A_142] : memref<16384x1024xf32, #tpu.memory_space<hbm>> -> memref<1x1024xf32, #tpu.memory_space<hbm>>
      %dma_start3A_144 = arith.constant 0 : i32
      %dma_start3A_145 = tpu.memref_slice %arg4[%add3A_139, %dma_start3A_144] : memref<16384x1024xf32, #tpu.memory_space<hbm>> -> memref<1x1024xf32, #tpu.memory_space<hbm>>
      %dma_start3A_146 = arith.constant 0 : i32
      %dma_start3A_147 = tpu.memref_slice %arg6[%squeeze3A_134, %dma_start3A_146] : memref<13x1024xf32, #tpu.memory_space<vmem>> -> memref<1x1024xf32, #tpu.memory_space<vmem>>
      tpu.enqueue_dma source(%dma_start3A_147 : memref<1x1024xf32, #tpu.memory_space<vmem>>) target(%dma_start3A_145 : memref<1x1024xf32, #tpu.memory_space<hbm>>) target_semaphore(%arg8 : memref<!tpu.dma_semaphore, #tpu.memory_space<semaphore_mem>>)
      %slice3A_148 = vector.extract_strided_slice %get3A_30 {offsets = [8], sizes = [1], strides = [1]} : vector<16xi32> to vector<1xi32>
      %squeeze3A_149 = vector.extract %slice3A_148[0] : i32 from vector<1xi32>
      %mul3A_150 = arith.constant 16 : i32
      %mul3A_151 = arith.muli %while3A_26, %mul3A_150 : i32
      %add3A_152 = arith.addi %select_n3A, %mul3A_151 : i32
      %add3A_153 = arith.constant 8 : i32
      %add3A_154 = arith.addi %add3A_152, %add3A_153 : i32
      %dma_start3A_155 = arith.constant 0 : i32
      %dma_start3A_156 = tpu.memref_slice %arg6[%squeeze3A_149, %dma_start3A_155] : memref<13x1024xf32, #tpu.memory_space<vmem>> -> memref<1x1024xf32, #tpu.memory_space<vmem>>
      %dma_start3A_157 = arith.constant 0 : i32
      %dma_start3A_158 = tpu.memref_slice %arg4[%add3A_154, %dma_start3A_157] : memref<16384x1024xf32, #tpu.memory_space<hbm>> -> memref<1x1024xf32, #tpu.memory_space<hbm>>
      %dma_start3A_159 = arith.constant 0 : i32
      %dma_start3A_160 = tpu.memref_slice %arg4[%add3A_154, %dma_start3A_159] : memref<16384x1024xf32, #tpu.memory_space<hbm>> -> memref<1x1024xf32, #tpu.memory_space<hbm>>
      %dma_start3A_161 = arith.constant 0 : i32
      %dma_start3A_162 = tpu.memref_slice %arg6[%squeeze3A_149, %dma_start3A_161] : memref<13x1024xf32, #tpu.memory_space<vmem>> -> memref<1x1024xf32, #tpu.memory_space<vmem>>
      tpu.enqueue_dma source(%dma_start3A_162 : memref<1x1024xf32, #tpu.memory_space<vmem>>) target(%dma_start3A_160 : memref<1x1024xf32, #tpu.memory_space<hbm>>) target_semaphore(%arg8 : memref<!tpu.dma_semaphore, #tpu.memory_space<semaphore_mem>>)
      %slice3A_163 = vector.extract_strided_slice %get3A_30 {offsets = [9], sizes = [1], strides = [1]} : vector<16xi32> to vector<1xi32>
      %squeeze3A_164 = vector.extract %slice3A_163[0] : i32 from vector<1xi32>
      %mul3A_165 = arith.constant 16 : i32
      %mul3A_166 = arith.muli %while3A_26, %mul3A_165 : i32
      %add3A_167 = arith.addi %select_n3A, %mul3A_166 : i32
      %add3A_168 = arith.constant 9 : i32
      %add3A_169 = arith.addi %add3A_167, %add3A_168 : i32
      %dma_start3A_170 = arith.constant 0 : i32
      %dma_start3A_171 = tpu.memref_slice %arg6[%squeeze3A_164, %dma_start3A_170] : memref<13x1024xf32, #tpu.memory_space<vmem>> -> memref<1x1024xf32, #tpu.memory_space<vmem>>
      %dma_start3A_172 = arith.constant 0 : i32
      %dma_start3A_173 = tpu.memref_slice %arg4[%add3A_169, %dma_start3A_172] : memref<16384x1024xf32, #tpu.memory_space<hbm>> -> memref<1x1024xf32, #tpu.memory_space<hbm>>
      %dma_start3A_174 = arith.constant 0 : i32
      %dma_start3A_175 = tpu.memref_slice %arg4[%add3A_169, %dma_start3A_174] : memref<16384x1024xf32, #tpu.memory_space<hbm>> -> memref<1x1024xf32, #tpu.memory_space<hbm>>
      %dma_start3A_176 = arith.constant 0 : i32
      %dma_start3A_177 = tpu.memref_slice %arg6[%squeeze3A_164, %dma_start3A_176] : memref<13x1024xf32, #tpu.memory_space<vmem>> -> memref<1x1024xf32, #tpu.memory_space<vmem>>
      tpu.enqueue_dma source(%dma_start3A_177 : memref<1x1024xf32, #tpu.memory_space<vmem>>) target(%dma_start3A_175 : memref<1x1024xf32, #tpu.memory_space<hbm>>) target_semaphore(%arg8 : memref<!tpu.dma_semaphore, #tpu.memory_space<semaphore_mem>>)
      %slice3A_178 = vector.extract_strided_slice %get3A_30 {offsets = [10], sizes = [1], strides = [1]} : vector<16xi32> to vector<1xi32>
      %squeeze3A_179 = vector.extract %slice3A_178[0] : i32 from vector<1xi32>
      %mul3A_180 = arith.constant 16 : i32
      %mul3A_181 = arith.muli %while3A_26, %mul3A_180 : i32
      %add3A_182 = arith.addi %select_n3A, %mul3A_181 : i32
      %add3A_183 = arith.constant 10 : i32
      %add3A_184 = arith.addi %add3A_182, %add3A_183 : i32
      %dma_start3A_185 = arith.constant 0 : i32
      %dma_start3A_186 = tpu.memref_slice %arg6[%squeeze3A_179, %dma_start3A_185] : memref<13x1024xf32, #tpu.memory_space<vmem>> -> memref<1x1024xf32, #tpu.memory_space<vmem>>
      %dma_start3A_187 = arith.constant 0 : i32
      %dma_start3A_188 = tpu.memref_slice %arg4[%add3A_184, %dma_start3A_187] : memref<16384x1024xf32, #tpu.memory_space<hbm>> -> memref<1x1024xf32, #tpu.memory_space<hbm>>
      %dma_start3A_189 = arith.constant 0 : i32
      %dma_start3A_190 = tpu.memref_slice %arg4[%add3A_184, %dma_start3A_189] : memref<16384x1024xf32, #tpu.memory_space<hbm>> -> memref<1x1024xf32, #tpu.memory_space<hbm>>
      %dma_start3A_191 = arith.constant 0 : i32
      %dma_start3A_192 = tpu.memref_slice %arg6[%squeeze3A_179, %dma_start3A_191] : memref<13x1024xf32, #tpu.memory_space<vmem>> -> memref<1x1024xf32, #tpu.memory_space<vmem>>
      tpu.enqueue_dma source(%dma_start3A_192 : memref<1x1024xf32, #tpu.memory_space<vmem>>) target(%dma_start3A_190 : memref<1x1024xf32, #tpu.memory_space<hbm>>) target_semaphore(%arg8 : memref<!tpu.dma_semaphore, #tpu.memory_space<semaphore_mem>>)
      %slice3A_193 = vector.extract_strided_slice %get3A_30 {offsets = [11], sizes = [1], strides = [1]} : vector<16xi32> to vector<1xi32>
      %squeeze3A_194 = vector.extract %slice3A_193[0] : i32 from vector<1xi32>
      %mul3A_195 = arith.constant 16 : i32
      %mul3A_196 = arith.muli %while3A_26, %mul3A_195 : i32
      %add3A_197 = arith.addi %select_n3A, %mul3A_196 : i32
      %add3A_198 = arith.constant 11 : i32
      %add3A_199 = arith.addi %add3A_197, %add3A_198 : i32
      %dma_start3A_200 = arith.constant 0 : i32
      %dma_start3A_201 = tpu.memref_slice %arg6[%squeeze3A_194, %dma_start3A_200] : memref<13x1024xf32, #tpu.memory_space<vmem>> -> memref<1x1024xf32, #tpu.memory_space<vmem>>
      %dma_start3A_202 = arith.constant 0 : i32
      %dma_start3A_203 = tpu.memref_slice %arg4[%add3A_199, %dma_start3A_202] : memref<16384x1024xf32, #tpu.memory_space<hbm>> -> memref<1x1024xf32, #tpu.memory_space<hbm>>
      %dma_start3A_204 = arith.constant 0 : i32
      %dma_start3A_205 = tpu.memref_slice %arg4[%add3A_199, %dma_start3A_204] : memref<16384x1024xf32, #tpu.memory_space<hbm>> -> memref<1x1024xf32, #tpu.memory_space<hbm>>
      %dma_start3A_206 = arith.constant 0 : i32
      %dma_start3A_207 = tpu.memref_slice %arg6[%squeeze3A_194, %dma_start3A_206] : memref<13x1024xf32, #tpu.memory_space<vmem>> -> memref<1x1024xf32, #tpu.memory_space<vmem>>
      tpu.enqueue_dma source(%dma_start3A_207 : memref<1x1024xf32, #tpu.memory_space<vmem>>) target(%dma_start3A_205 : memref<1x1024xf32, #tpu.memory_space<hbm>>) target_semaphore(%arg8 : memref<!tpu.dma_semaphore, #tpu.memory_space<semaphore_mem>>)
      %slice3A_208 = vector.extract_strided_slice %get3A_30 {offsets = [12], sizes = [1], strides = [1]} : vector<16xi32> to vector<1xi32>
      %squeeze3A_209 = vector.extract %slice3A_208[0] : i32 from vector<1xi32>
      %mul3A_210 = arith.constant 16 : i32
      %mul3A_211 = arith.muli %while3A_26, %mul3A_210 : i32
      %add3A_212 = arith.addi %select_n3A, %mul3A_211 : i32
      %add3A_213 = arith.constant 12 : i32
      %add3A_214 = arith.addi %add3A_212, %add3A_213 : i32
      %dma_start3A_215 = arith.constant 0 : i32
      %dma_start3A_216 = tpu.memref_slice %arg6[%squeeze3A_209, %dma_start3A_215] : memref<13x1024xf32, #tpu.memory_space<vmem>> -> memref<1x1024xf32, #tpu.memory_space<vmem>>
      %dma_start3A_217 = arith.constant 0 : i32
      %dma_start3A_218 = tpu.memref_slice %arg4[%add3A_214, %dma_start3A_217] : memref<16384x1024xf32, #tpu.memory_space<hbm>> -> memref<1x1024xf32, #tpu.memory_space<hbm>>
      %dma_start3A_219 = arith.constant 0 : i32
      %dma_start3A_220 = tpu.memref_slice %arg4[%add3A_214, %dma_start3A_219] : memref<16384x1024xf32, #tpu.memory_space<hbm>> -> memref<1x1024xf32, #tpu.memory_space<hbm>>
      %dma_start3A_221 = arith.constant 0 : i32
      %dma_start3A_222 = tpu.memref_slice %arg6[%squeeze3A_209, %dma_start3A_221] : memref<13x1024xf32, #tpu.memory_space<vmem>> -> memref<1x1024xf32, #tpu.memory_space<vmem>>
      tpu.enqueue_dma source(%dma_start3A_222 : memref<1x1024xf32, #tpu.memory_space<vmem>>) target(%dma_start3A_220 : memref<1x1024xf32, #tpu.memory_space<hbm>>) target_semaphore(%arg8 : memref<!tpu.dma_semaphore, #tpu.memory_space<semaphore_mem>>)
      %slice3A_223 = vector.extract_strided_slice %get3A_30 {offsets = [13], sizes = [1], strides = [1]} : vector<16xi32> to vector<1xi32>
      %squeeze3A_224 = vector.extract %slice3A_223[0] : i32 from vector<1xi32>
      %mul3A_225 = arith.constant 16 : i32
      %mul3A_226 = arith.muli %while3A_26, %mul3A_225 : i32
      %add3A_227 = arith.addi %select_n3A, %mul3A_226 : i32
      %add3A_228 = arith.constant 13 : i32
      %add3A_229 = arith.addi %add3A_227, %add3A_228 : i32
      %dma_start3A_230 = arith.constant 0 : i32
      %dma_start3A_231 = tpu.memref_slice %arg6[%squeeze3A_224, %dma_start3A_230] : memref<13x1024xf32, #tpu.memory_space<vmem>> -> memref<1x1024xf32, #tpu.memory_space<vmem>>
      %dma_start3A_232 = arith.constant 0 : i32
      %dma_start3A_233 = tpu.memref_slice %arg4[%add3A_229, %dma_start3A_232] : memref<16384x1024xf32, #tpu.memory_space<hbm>> -> memref<1x1024xf32, #tpu.memory_space<hbm>>
      %dma_start3A_234 = arith.constant 0 : i32
      %dma_start3A_235 = tpu.memref_slice %arg4[%add3A_229, %dma_start3A_234] : memref<16384x1024xf32, #tpu.memory_space<hbm>> -> memref<1x1024xf32, #tpu.memory_space<hbm>>
      %dma_start3A_236 = arith.constant 0 : i32
      %dma_start3A_237 = tpu.memref_slice %arg6[%squeeze3A_224, %dma_start3A_236] : memref<13x1024xf32, #tpu.memory_space<vmem>> -> memref<1x1024xf32, #tpu.memory_space<vmem>>
      tpu.enqueue_dma source(%dma_start3A_237 : memref<1x1024xf32, #tpu.memory_space<vmem>>) target(%dma_start3A_235 : memref<1x1024xf32, #tpu.memory_space<hbm>>) target_semaphore(%arg8 : memref<!tpu.dma_semaphore, #tpu.memory_space<semaphore_mem>>)
      %slice3A_238 = vector.extract_strided_slice %get3A_30 {offsets = [14], sizes = [1], strides = [1]} : vector<16xi32> to vector<1xi32>
      %squeeze3A_239 = vector.extract %slice3A_238[0] : i32 from vector<1xi32>
      %mul3A_240 = arith.constant 16 : i32
      %mul3A_241 = arith.muli %while3A_26, %mul3A_240 : i32
      %add3A_242 = arith.addi %select_n3A, %mul3A_241 : i32
      %add3A_243 = arith.constant 14 : i32
      %add3A_244 = arith.addi %add3A_242, %add3A_243 : i32
      %dma_start3A_245 = arith.constant 0 : i32
      %dma_start3A_246 = tpu.memref_slice %arg6[%squeeze3A_239, %dma_start3A_245] : memref<13x1024xf32, #tpu.memory_space<vmem>> -> memref<1x1024xf32, #tpu.memory_space<vmem>>
      %dma_start3A_247 = arith.constant 0 : i32
      %dma_start3A_248 = tpu.memref_slice %arg4[%add3A_244, %dma_start3A_247] : memref<16384x1024xf32, #tpu.memory_space<hbm>> -> memref<1x1024xf32, #tpu.memory_space<hbm>>
      %dma_start3A_249 = arith.constant 0 : i32
      %dma_start3A_250 = tpu.memref_slice %arg4[%add3A_244, %dma_start3A_249] : memref<16384x1024xf32, #tpu.memory_space<hbm>> -> memref<1x1024xf32, #tpu.memory_space<hbm>>
      %dma_start3A_251 = arith.constant 0 : i32
      %dma_start3A_252 = tpu.memref_slice %arg6[%squeeze3A_239, %dma_start3A_251] : memref<13x1024xf32, #tpu.memory_space<vmem>> -> memref<1x1024xf32, #tpu.memory_space<vmem>>
      tpu.enqueue_dma source(%dma_start3A_252 : memref<1x1024xf32, #tpu.memory_space<vmem>>) target(%dma_start3A_250 : memref<1x1024xf32, #tpu.memory_space<hbm>>) target_semaphore(%arg8 : memref<!tpu.dma_semaphore, #tpu.memory_space<semaphore_mem>>)
      %slice3A_253 = vector.extract_strided_slice %get3A_30 {offsets = [15], sizes = [1], strides = [1]} : vector<16xi32> to vector<1xi32>
      %squeeze3A_254 = vector.extract %slice3A_253[0] : i32 from vector<1xi32>
      %mul3A_255 = arith.constant 16 : i32
      %mul3A_256 = arith.muli %while3A_26, %mul3A_255 : i32
      %add3A_257 = arith.addi %select_n3A, %mul3A_256 : i32
      %add3A_258 = arith.constant 15 : i32
      %add3A_259 = arith.addi %add3A_257, %add3A_258 : i32
      %dma_start3A_260 = arith.constant 0 : i32
      %dma_start3A_261 = tpu.memref_slice %arg6[%squeeze3A_254, %dma_start3A_260] : memref<13x1024xf32, #tpu.memory_space<vmem>> -> memref<1x1024xf32, #tpu.memory_space<vmem>>
      %dma_start3A_262 = arith.constant 0 : i32
      %dma_start3A_263 = tpu.memref_slice %arg4[%add3A_259, %dma_start3A_262] : memref<16384x1024xf32, #tpu.memory_space<hbm>> -> memref<1x1024xf32, #tpu.memory_space<hbm>>
      %dma_start3A_264 = arith.constant 0 : i32
      %dma_start3A_265 = tpu.memref_slice %arg4[%add3A_259, %dma_start3A_264] : memref<16384x1024xf32, #tpu.memory_space<hbm>> -> memref<1x1024xf32, #tpu.memory_space<hbm>>
      %dma_start3A_266 = arith.constant 0 : i32
      %dma_start3A_267 = tpu.memref_slice %arg6[%squeeze3A_254, %dma_start3A_266] : memref<13x1024xf32, #tpu.memory_space<vmem>> -> memref<1x1024xf32, #tpu.memory_space<vmem>>
      tpu.enqueue_dma source(%dma_start3A_267 : memref<1x1024xf32, #tpu.memory_space<vmem>>) target(%dma_start3A_265 : memref<1x1024xf32, #tpu.memory_space<hbm>>) target_semaphore(%arg8 : memref<!tpu.dma_semaphore, #tpu.memory_space<semaphore_mem>>)
    }
    %while3A_15 = arith.constant 1 : i32
    scf.for %while3A_26 = %while3A_13 to %while3A_9 step %while3A_15  : i32 {
      %mul3A_27 = arith.constant 16 : i32
      %mul3A_28 = arith.muli %while3A_26, %mul3A_27 : i32
      %get3A = arith.index_cast %mul3A_28 : i32 to index
      %get3A_29 = tpu.vector_load %arg5[%get3A] {strides = array<i32>} : memref<544xi32, #tpu.memory_space<vmem>>, vector<16xi32>,
      %get3A_30 = vector.shape_cast %get3A_29 : vector<16xi32> to vector<16xi32>
      %slice3A = vector.extract_strided_slice %get3A_30 {offsets = [0], sizes = [1], strides = [1]} : vector<16xi32> to vector<1xi32>
      %squeeze3A = vector.extract %slice3A[0] : i32 from vector<1xi32>
      %mul3A_31 = arith.constant 16 : i32
      %mul3A_32 = arith.muli %while3A_26, %mul3A_31 : i32
      %add3A_33 = arith.addi %select_n3A, %mul3A_32 : i32
      %add3A_34 = arith.constant 0 : i32
      %add3A_35 = arith.addi %add3A_33, %add3A_34 : i32
      %dma_start3A = arith.constant 0 : i32
      %dma_start3A_36 = tpu.memref_slice %arg6[%squeeze3A, %dma_start3A] : memref<13x1024xf32, #tpu.memory_space<vmem>> -> memref<1x1024xf32, #tpu.memory_space<vmem>>
      %dma_start3A_37 = arith.constant 0 : i32
      %dma_start3A_38 = tpu.memref_slice %arg4[%add3A_35, %dma_start3A_37] : memref<16384x1024xf32, #tpu.memory_space<hbm>> -> memref<1x1024xf32, #tpu.memory_space<hbm>>
      %dma_start3A_39 = arith.constant 0 : i32
      %dma_start3A_40 = tpu.memref_slice %arg4[%add3A_35, %dma_start3A_39] : memref<16384x1024xf32, #tpu.memory_space<hbm>> -> memref<1x1024xf32, #tpu.memory_space<hbm>>
      %dma_start3A_41 = arith.constant 0 : i32
      %dma_start3A_42 = tpu.memref_slice %arg6[%squeeze3A, %dma_start3A_41] : memref<13x1024xf32, #tpu.memory_space<vmem>> -> memref<1x1024xf32, #tpu.memory_space<vmem>>
      tpu.enqueue_dma source(%dma_start3A_42 : memref<1x1024xf32, #tpu.memory_space<vmem>>) target(%dma_start3A_40 : memref<1x1024xf32, #tpu.memory_space<hbm>>) target_semaphore(%arg8 : memref<!tpu.dma_semaphore, #tpu.memory_space<semaphore_mem>>)
      %slice3A_43 = vector.extract_strided_slice %get3A_30 {offsets = [1], sizes = [1], strides = [1]} : vector<16xi32> to vector<1xi32>
      %squeeze3A_44 = vector.extract %slice3A_43[0] : i32 from vector<1xi32>
      %mul3A_45 = arith.constant 16 : i32
      %mul3A_46 = arith.muli %while3A_26, %mul3A_45 : i32
      %add3A_47 = arith.addi %select_n3A, %mul3A_46 : i32
      %add3A_48 = arith.constant 1 : i32
      %add3A_49 = arith.addi %add3A_47, %add3A_48 : i32
      %dma_start3A_50 = arith.constant 0 : i32
      %dma_start3A_51 = tpu.memref_slice %arg6[%squeeze3A_44, %dma_start3A_50] : memref<13x1024xf32, #tpu.memory_space<vmem>> -> memref<1x1024xf32, #tpu.memory_space<vmem>>
      %dma_start3A_52 = arith.constant 0 : i32
      %dma_start3A_53 = tpu.memref_slice %arg4[%add3A_49, %dma_start3A_52] : memref<16384x1024xf32, #tpu.memory_space<hbm>> -> memref<1x1024xf32, #tpu.memory_space<hbm>>
      %dma_start3A_54 = arith.constant 0 : i32
      %dma_start3A_55 = tpu.memref_slice %arg4[%add3A_49, %dma_start3A_54] : memref<16384x1024xf32, #tpu.memory_space<hbm>> -> memref<1x1024xf32, #tpu.memory_space<hbm>>
      %dma_start3A_56 = arith.constant 0 : i32
      %dma_start3A_57 = tpu.memref_slice %arg6[%squeeze3A_44, %dma_start3A_56] : memref<13x1024xf32, #tpu.memory_space<vmem>> -> memref<1x1024xf32, #tpu.memory_space<vmem>>
      tpu.enqueue_dma source(%dma_start3A_57 : memref<1x1024xf32, #tpu.memory_space<vmem>>) target(%dma_start3A_55 : memref<1x1024xf32, #tpu.memory_space<hbm>>) target_semaphore(%arg8 : memref<!tpu.dma_semaphore, #tpu.memory_space<semaphore_mem>>)
      %slice3A_58 = vector.extract_strided_slice %get3A_30 {offsets = [2], sizes = [1], strides = [1]} : vector<16xi32> to vector<1xi32>
      %squeeze3A_59 = vector.extract %slice3A_58[0] : i32 from vector<1xi32>
      %mul3A_60 = arith.constant 16 : i32
      %mul3A_61 = arith.muli %while3A_26, %mul3A_60 : i32
      %add3A_62 = arith.addi %select_n3A, %mul3A_61 : i32
      %add3A_63 = arith.constant 2 : i32
      %add3A_64 = arith.addi %add3A_62, %add3A_63 : i32
      %dma_start3A_65 = arith.constant 0 : i32
      %dma_start3A_66 = tpu.memref_slice %arg6[%squeeze3A_59, %dma_start3A_65] : memref<13x1024xf32, #tpu.memory_space<vmem>> -> memref<1x1024xf32, #tpu.memory_space<vmem>>
      %dma_start3A_67 = arith.constant 0 : i32
      %dma_start3A_68 = tpu.memref_slice %arg4[%add3A_64, %dma_start3A_67] : memref<16384x1024xf32, #tpu.memory_space<hbm>> -> memref<1x1024xf32, #tpu.memory_space<hbm>>
      %dma_start3A_69 = arith.constant 0 : i32
      %dma_start3A_70 = tpu.memref_slice %arg4[%add3A_64, %dma_start3A_69] : memref<16384x1024xf32, #tpu.memory_space<hbm>> -> memref<1x1024xf32, #tpu.memory_space<hbm>>
      %dma_start3A_71 = arith.constant 0 : i32
      %dma_start3A_72 = tpu.memref_slice %arg6[%squeeze3A_59, %dma_start3A_71] : memref<13x1024xf32, #tpu.memory_space<vmem>> -> memref<1x1024xf32, #tpu.memory_space<vmem>>
      tpu.enqueue_dma source(%dma_start3A_72 : memref<1x1024xf32, #tpu.memory_space<vmem>>) target(%dma_start3A_70 : memref<1x1024xf32, #tpu.memory_space<hbm>>) target_semaphore(%arg8 : memref<!tpu.dma_semaphore, #tpu.memory_space<semaphore_mem>>)
      %slice3A_73 = vector.extract_strided_slice %get3A_30 {offsets = [3], sizes = [1], strides = [1]} : vector<16xi32> to vector<1xi32>
      %squeeze3A_74 = vector.extract %slice3A_73[0] : i32 from vector<1xi32>
      %mul3A_75 = arith.constant 16 : i32
      %mul3A_76 = arith.muli %while3A_26, %mul3A_75 : i32
      %add3A_77 = arith.addi %select_n3A, %mul3A_76 : i32
      %add3A_78 = arith.constant 3 : i32
      %add3A_79 = arith.addi %add3A_77, %add3A_78 : i32
      %dma_start3A_80 = arith.constant 0 : i32
      %dma_start3A_81 = tpu.memref_slice %arg6[%squeeze3A_74, %dma_start3A_80] : memref<13x1024xf32, #tpu.memory_space<vmem>> -> memref<1x1024xf32, #tpu.memory_space<vmem>>
      %dma_start3A_82 = arith.constant 0 : i32
      %dma_start3A_83 = tpu.memref_slice %arg4[%add3A_79, %dma_start3A_82] : memref<16384x1024xf32, #tpu.memory_space<hbm>> -> memref<1x1024xf32, #tpu.memory_space<hbm>>
      %dma_start3A_84 = arith.constant 0 : i32
      %dma_start3A_85 = tpu.memref_slice %arg4[%add3A_79, %dma_start3A_84] : memref<16384x1024xf32, #tpu.memory_space<hbm>> -> memref<1x1024xf32, #tpu.memory_space<hbm>>
      %dma_start3A_86 = arith.constant 0 : i32
      %dma_start3A_87 = tpu.memref_slice %arg6[%squeeze3A_74, %dma_start3A_86] : memref<13x1024xf32, #tpu.memory_space<vmem>> -> memref<1x1024xf32, #tpu.memory_space<vmem>>
      tpu.enqueue_dma source(%dma_start3A_87 : memref<1x1024xf32, #tpu.memory_space<vmem>>) target(%dma_start3A_85 : memref<1x1024xf32, #tpu.memory_space<hbm>>) target_semaphore(%arg8 : memref<!tpu.dma_semaphore, #tpu.memory_space<semaphore_mem>>)
      %slice3A_88 = vector.extract_strided_slice %get3A_30 {offsets = [4], sizes = [1], strides = [1]} : vector<16xi32> to vector<1xi32>
      %squeeze3A_89 = vector.extract %slice3A_88[0] : i32 from vector<1xi32>
      %mul3A_90 = arith.constant 16 : i32
      %mul3A_91 = arith.muli %while3A_26, %mul3A_90 : i32
      %add3A_92 = arith.addi %select_n3A, %mul3A_91 : i32
      %add3A_93 = arith.constant 4 : i32
      %add3A_94 = arith.addi %add3A_92, %add3A_93 : i32
      %dma_start3A_95 = arith.constant 0 : i32
      %dma_start3A_96 = tpu.memref_slice %arg6[%squeeze3A_89, %dma_start3A_95] : memref<13x1024xf32, #tpu.memory_space<vmem>> -> memref<1x1024xf32, #tpu.memory_space<vmem>>
      %dma_start3A_97 = arith.constant 0 : i32
      %dma_start3A_98 = tpu.memref_slice %arg4[%add3A_94, %dma_start3A_97] : memref<16384x1024xf32, #tpu.memory_space<hbm>> -> memref<1x1024xf32, #tpu.memory_space<hbm>>
      %dma_start3A_99 = arith.constant 0 : i32
      %dma_start3A_100 = tpu.memref_slice %arg4[%add3A_94, %dma_start3A_99] : memref<16384x1024xf32, #tpu.memory_space<hbm>> -> memref<1x1024xf32, #tpu.memory_space<hbm>>
      %dma_start3A_101 = arith.constant 0 : i32
      %dma_start3A_102 = tpu.memref_slice %arg6[%squeeze3A_89, %dma_start3A_101] : memref<13x1024xf32, #tpu.memory_space<vmem>> -> memref<1x1024xf32, #tpu.memory_space<vmem>>
      tpu.enqueue_dma source(%dma_start3A_102 : memref<1x1024xf32, #tpu.memory_space<vmem>>) target(%dma_start3A_100 : memref<1x1024xf32, #tpu.memory_space<hbm>>) target_semaphore(%arg8 : memref<!tpu.dma_semaphore, #tpu.memory_space<semaphore_mem>>)
      %slice3A_103 = vector.extract_strided_slice %get3A_30 {offsets = [5], sizes = [1], strides = [1]} : vector<16xi32> to vector<1xi32>
      %squeeze3A_104 = vector.extract %slice3A_103[0] : i32 from vector<1xi32>
      %mul3A_105 = arith.constant 16 : i32
      %mul3A_106 = arith.muli %while3A_26, %mul3A_105 : i32
      %add3A_107 = arith.addi %select_n3A, %mul3A_106 : i32
      %add3A_108 = arith.constant 5 : i32
      %add3A_109 = arith.addi %add3A_107, %add3A_108 : i32
      %dma_start3A_110 = arith.constant 0 : i32
      %dma_start3A_111 = tpu.memref_slice %arg6[%squeeze3A_104, %dma_start3A_110] : memref<13x1024xf32, #tpu.memory_space<vmem>> -> memref<1x1024xf32, #tpu.memory_space<vmem>>
      %dma_start3A_112 = arith.constant 0 : i32
      %dma_start3A_113 = tpu.memref_slice %arg4[%add3A_109, %dma_start3A_112] : memref<16384x1024xf32, #tpu.memory_space<hbm>> -> memref<1x1024xf32, #tpu.memory_space<hbm>>
      %dma_start3A_114 = arith.constant 0 : i32
      %dma_start3A_115 = tpu.memref_slice %arg4[%add3A_109, %dma_start3A_114] : memref<16384x1024xf32, #tpu.memory_space<hbm>> -> memref<1x1024xf32, #tpu.memory_space<hbm>>
      %dma_start3A_116 = arith.constant 0 : i32
      %dma_start3A_117 = tpu.memref_slice %arg6[%squeeze3A_104, %dma_start3A_116] : memref<13x1024xf32, #tpu.memory_space<vmem>> -> memref<1x1024xf32, #tpu.memory_space<vmem>>
      tpu.enqueue_dma source(%dma_start3A_117 : memref<1x1024xf32, #tpu.memory_space<vmem>>) target(%dma_start3A_115 : memref<1x1024xf32, #tpu.memory_space<hbm>>) target_semaphore(%arg8 : memref<!tpu.dma_semaphore, #tpu.memory_space<semaphore_mem>>)
      %slice3A_118 = vector.extract_strided_slice %get3A_30 {offsets = [6], sizes = [1], strides = [1]} : vector<16xi32> to vector<1xi32>
      %squeeze3A_119 = vector.extract %slice3A_118[0] : i32 from vector<1xi32>
      %mul3A_120 = arith.constant 16 : i32
      %mul3A_121 = arith.muli %while3A_26, %mul3A_120 : i32
      %add3A_122 = arith.addi %select_n3A, %mul3A_121 : i32
      %add3A_123 = arith.constant 6 : i32
      %add3A_124 = arith.addi %add3A_122, %add3A_123 : i32
      %dma_start3A_125 = arith.constant 0 : i32
      %dma_start3A_126 = tpu.memref_slice %arg6[%squeeze3A_119, %dma_start3A_125] : memref<13x1024xf32, #tpu.memory_space<vmem>> -> memref<1x1024xf32, #tpu.memory_space<vmem>>
      %dma_start3A_127 = arith.constant 0 : i32
      %dma_start3A_128 = tpu.memref_slice %arg4[%add3A_124, %dma_start3A_127] : memref<16384x1024xf32, #tpu.memory_space<hbm>> -> memref<1x1024xf32, #tpu.memory_space<hbm>>
      %dma_start3A_129 = arith.constant 0 : i32
      %dma_start3A_130 = tpu.memref_slice %arg4[%add3A_124, %dma_start3A_129] : memref<16384x1024xf32, #tpu.memory_space<hbm>> -> memref<1x1024xf32, #tpu.memory_space<hbm>>
      %dma_start3A_131 = arith.constant 0 : i32
      %dma_start3A_132 = tpu.memref_slice %arg6[%squeeze3A_119, %dma_start3A_131] : memref<13x1024xf32, #tpu.memory_space<vmem>> -> memref<1x1024xf32, #tpu.memory_space<vmem>>
      tpu.enqueue_dma source(%dma_start3A_132 : memref<1x1024xf32, #tpu.memory_space<vmem>>) target(%dma_start3A_130 : memref<1x1024xf32, #tpu.memory_space<hbm>>) target_semaphore(%arg8 : memref<!tpu.dma_semaphore, #tpu.memory_space<semaphore_mem>>)
      %slice3A_133 = vector.extract_strided_slice %get3A_30 {offsets = [7], sizes = [1], strides = [1]} : vector<16xi32> to vector<1xi32>
      %squeeze3A_134 = vector.extract %slice3A_133[0] : i32 from vector<1xi32>
      %mul3A_135 = arith.constant 16 : i32
      %mul3A_136 = arith.muli %while3A_26, %mul3A_135 : i32
      %add3A_137 = arith.addi %select_n3A, %mul3A_136 : i32
      %add3A_138 = arith.constant 7 : i32
      %add3A_139 = arith.addi %add3A_137, %add3A_138 : i32
      %dma_start3A_140 = arith.constant 0 : i32
      %dma_start3A_141 = tpu.memref_slice %arg6[%squeeze3A_134, %dma_start3A_140] : memref<13x1024xf32, #tpu.memory_space<vmem>> -> memref<1x1024xf32, #tpu.memory_space<vmem>>
      %dma_start3A_142 = arith.constant 0 : i32
      %dma_start3A_143 = tpu.memref_slice %arg4[%add3A_139, %dma_start3A_142] : memref<16384x1024xf32, #tpu.memory_space<hbm>> -> memref<1x1024xf32, #tpu.memory_space<hbm>>
      %dma_start3A_144 = arith.constant 0 : i32
      %dma_start3A_145 = tpu.memref_slice %arg4[%add3A_139, %dma_start3A_144] : memref<16384x1024xf32, #tpu.memory_space<hbm>> -> memref<1x1024xf32, #tpu.memory_space<hbm>>
      %dma_start3A_146 = arith.constant 0 : i32
      %dma_start3A_147 = tpu.memref_slice %arg6[%squeeze3A_134, %dma_start3A_146] : memref<13x1024xf32, #tpu.memory_space<vmem>> -> memref<1x1024xf32, #tpu.memory_space<vmem>>
      tpu.enqueue_dma source(%dma_start3A_147 : memref<1x1024xf32, #tpu.memory_space<vmem>>) target(%dma_start3A_145 : memref<1x1024xf32, #tpu.memory_space<hbm>>) target_semaphore(%arg8 : memref<!tpu.dma_semaphore, #tpu.memory_space<semaphore_mem>>)
      %slice3A_148 = vector.extract_strided_slice %get3A_30 {offsets = [8], sizes = [1], strides = [1]} : vector<16xi32> to vector<1xi32>
      %squeeze3A_149 = vector.extract %slice3A_148[0] : i32 from vector<1xi32>
      %mul3A_150 = arith.constant 16 : i32
      %mul3A_151 = arith.muli %while3A_26, %mul3A_150 : i32
      %add3A_152 = arith.addi %select_n3A, %mul3A_151 : i32
      %add3A_153 = arith.constant 8 : i32
      %add3A_154 = arith.addi %add3A_152, %add3A_153 : i32
      %dma_start3A_155 = arith.constant 0 : i32
      %dma_start3A_156 = tpu.memref_slice %arg6[%squeeze3A_149, %dma_start3A_155] : memref<13x1024xf32, #tpu.memory_space<vmem>> -> memref<1x1024xf32, #tpu.memory_space<vmem>>
      %dma_start3A_157 = arith.constant 0 : i32
      %dma_start3A_158 = tpu.memref_slice %arg4[%add3A_154, %dma_start3A_157] : memref<16384x1024xf32, #tpu.memory_space<hbm>> -> memref<1x1024xf32, #tpu.memory_space<hbm>>
      %dma_start3A_159 = arith.constant 0 : i32
      %dma_start3A_160 = tpu.memref_slice %arg4[%add3A_154, %dma_start3A_159] : memref<16384x1024xf32, #tpu.memory_space<hbm>> -> memref<1x1024xf32, #tpu.memory_space<hbm>>
      %dma_start3A_161 = arith.constant 0 : i32
      %dma_start3A_162 = tpu.memref_slice %arg6[%squeeze3A_149, %dma_start3A_161] : memref<13x1024xf32, #tpu.memory_space<vmem>> -> memref<1x1024xf32, #tpu.memory_space<vmem>>
      tpu.enqueue_dma source(%dma_start3A_162 : memref<1x1024xf32, #tpu.memory_space<vmem>>) target(%dma_start3A_160 : memref<1x1024xf32, #tpu.memory_space<hbm>>) target_semaphore(%arg8 : memref<!tpu.dma_semaphore, #tpu.memory_space<semaphore_mem>>)
      %slice3A_163 = vector.extract_strided_slice %get3A_30 {offsets = [9], sizes = [1], strides = [1]} : vector<16xi32> to vector<1xi32>
      %squeeze3A_164 = vector.extract %slice3A_163[0] : i32 from vector<1xi32>
      %mul3A_165 = arith.constant 16 : i32
      %mul3A_166 = arith.muli %while3A_26, %mul3A_165 : i32
      %add3A_167 = arith.addi %select_n3A, %mul3A_166 : i32
      %add3A_168 = arith.constant 9 : i32
      %add3A_169 = arith.addi %add3A_167, %add3A_168 : i32
      %dma_start3A_170 = arith.constant 0 : i32
      %dma_start3A_171 = tpu.memref_slice %arg6[%squeeze3A_164, %dma_start3A_170] : memref<13x1024xf32, #tpu.memory_space<vmem>> -> memref<1x1024xf32, #tpu.memory_space<vmem>>
      %dma_start3A_172 = arith.constant 0 : i32
      %dma_start3A_173 = tpu.memref_slice %arg4[%add3A_169, %dma_start3A_172] : memref<16384x1024xf32, #tpu.memory_space<hbm>> -> memref<1x1024xf32, #tpu.memory_space<hbm>>
      %dma_start3A_174 = arith.constant 0 : i32
      %dma_start3A_175 = tpu.memref_slice %arg4[%add3A_169, %dma_start3A_174] : memref<16384x1024xf32, #tpu.memory_space<hbm>> -> memref<1x1024xf32, #tpu.memory_space<hbm>>
      %dma_start3A_176 = arith.constant 0 : i32
      %dma_start3A_177 = tpu.memref_slice %arg6[%squeeze3A_164, %dma_start3A_176] : memref<13x1024xf32, #tpu.memory_space<vmem>> -> memref<1x1024xf32, #tpu.memory_space<vmem>>
      tpu.enqueue_dma source(%dma_start3A_177 : memref<1x1024xf32, #tpu.memory_space<vmem>>) target(%dma_start3A_175 : memref<1x1024xf32, #tpu.memory_space<hbm>>) target_semaphore(%arg8 : memref<!tpu.dma_semaphore, #tpu.memory_space<semaphore_mem>>)
      %slice3A_178 = vector.extract_strided_slice %get3A_30 {offsets = [10], sizes = [1], strides = [1]} : vector<16xi32> to vector<1xi32>
      %squeeze3A_179 = vector.extract %slice3A_178[0] : i32 from vector<1xi32>
      %mul3A_180 = arith.constant 16 : i32
      %mul3A_181 = arith.muli %while3A_26, %mul3A_180 : i32
      %add3A_182 = arith.addi %select_n3A, %mul3A_181 : i32
      %add3A_183 = arith.constant 10 : i32
      %add3A_184 = arith.addi %add3A_182, %add3A_183 : i32
      %dma_start3A_185 = arith.constant 0 : i32
      %dma_start3A_186 = tpu.memref_slice %arg6[%squeeze3A_179, %dma_start3A_185] : memref<13x1024xf32, #tpu.memory_space<vmem>> -> memref<1x1024xf32, #tpu.memory_space<vmem>>
      %dma_start3A_187 = arith.constant 0 : i32
      %dma_start3A_188 = tpu.memref_slice %arg4[%add3A_184, %dma_start3A_187] : memref<16384x1024xf32, #tpu.memory_space<hbm>> -> memref<1x1024xf32, #tpu.memory_space<hbm>>
      %dma_start3A_189 = arith.constant 0 : i32
      %dma_start3A_190 = tpu.memref_slice %arg4[%add3A_184, %dma_start3A_189] : memref<16384x1024xf32, #tpu.memory_space<hbm>> -> memref<1x1024xf32, #tpu.memory_space<hbm>>
      %dma_start3A_191 = arith.constant 0 : i32
      %dma_start3A_192 = tpu.memref_slice %arg6[%squeeze3A_179, %dma_start3A_191] : memref<13x1024xf32, #tpu.memory_space<vmem>> -> memref<1x1024xf32, #tpu.memory_space<vmem>>
      tpu.enqueue_dma source(%dma_start3A_192 : memref<1x1024xf32, #tpu.memory_space<vmem>>) target(%dma_start3A_190 : memref<1x1024xf32, #tpu.memory_space<hbm>>) target_semaphore(%arg8 : memref<!tpu.dma_semaphore, #tpu.memory_space<semaphore_mem>>)
      %slice3A_193 = vector.extract_strided_slice %get3A_30 {offsets = [11], sizes = [1], strides = [1]} : vector<16xi32> to vector<1xi32>
      %squeeze3A_194 = vector.extract %slice3A_193[0] : i32 from vector<1xi32>
      %mul3A_195 = arith.constant 16 : i32
      %mul3A_196 = arith.muli %while3A_26, %mul3A_195 : i32
      %add3A_197 = arith.addi %select_n3A, %mul3A_196 : i32
      %add3A_198 = arith.constant 11 : i32
      %add3A_199 = arith.addi %add3A_197, %add3A_198 : i32
      %dma_start3A_200 = arith.constant 0 : i32
      %dma_start3A_201 = tpu.memref_slice %arg6[%squeeze3A_194, %dma_start3A_200] : memref<13x1024xf32, #tpu.memory_space<vmem>> -> memref<1x1024xf32, #tpu.memory_space<vmem>>
      %dma_start3A_202 = arith.constant 0 : i32
      %dma_start3A_203 = tpu.memref_slice %arg4[%add3A_199, %dma_start3A_202] : memref<16384x1024xf32, #tpu.memory_space<hbm>> -> memref<1x1024xf32, #tpu.memory_space<hbm>>
      %dma_start3A_204 = arith.constant 0 : i32
      %dma_start3A_205 = tpu.memref_slice %arg4[%add3A_199, %dma_start3A_204] : memref<16384x1024xf32, #tpu.memory_space<hbm>> -> memref<1x1024xf32, #tpu.memory_space<hbm>>
      %dma_start3A_206 = arith.constant 0 : i32
      %dma_start3A_207 = tpu.memref_slice %arg6[%squeeze3A_194, %dma_start3A_206] : memref<13x1024xf32, #tpu.memory_space<vmem>> -> memref<1x1024xf32, #tpu.memory_space<vmem>>
      tpu.enqueue_dma source(%dma_start3A_207 : memref<1x1024xf32, #tpu.memory_space<vmem>>) target(%dma_start3A_205 : memref<1x1024xf32, #tpu.memory_space<hbm>>) target_semaphore(%arg8 : memref<!tpu.dma_semaphore, #tpu.memory_space<semaphore_mem>>)
      %slice3A_208 = vector.extract_strided_slice %get3A_30 {offsets = [12], sizes = [1], strides = [1]} : vector<16xi32> to vector<1xi32>
      %squeeze3A_209 = vector.extract %slice3A_208[0] : i32 from vector<1xi32>
      %mul3A_210 = arith.constant 16 : i32
      %mul3A_211 = arith.muli %while3A_26, %mul3A_210 : i32
      %add3A_212 = arith.addi %select_n3A, %mul3A_211 : i32
      %add3A_213 = arith.constant 12 : i32
      %add3A_214 = arith.addi %add3A_212, %add3A_213 : i32
      %dma_start3A_215 = arith.constant 0 : i32
      %dma_start3A_216 = tpu.memref_slice %arg6[%squeeze3A_209, %dma_start3A_215] : memref<13x1024xf32, #tpu.memory_space<vmem>> -> memref<1x1024xf32, #tpu.memory_space<vmem>>
      %dma_start3A_217 = arith.constant 0 : i32
      %dma_start3A_218 = tpu.memref_slice %arg4[%add3A_214, %dma_start3A_217] : memref<16384x1024xf32, #tpu.memory_space<hbm>> -> memref<1x1024xf32, #tpu.memory_space<hbm>>
      %dma_start3A_219 = arith.constant 0 : i32
      %dma_start3A_220 = tpu.memref_slice %arg4[%add3A_214, %dma_start3A_219] : memref<16384x1024xf32, #tpu.memory_space<hbm>> -> memref<1x1024xf32, #tpu.memory_space<hbm>>
      %dma_start3A_221 = arith.constant 0 : i32
      %dma_start3A_222 = tpu.memref_slice %arg6[%squeeze3A_209, %dma_start3A_221] : memref<13x1024xf32, #tpu.memory_space<vmem>> -> memref<1x1024xf32, #tpu.memory_space<vmem>>
      tpu.enqueue_dma source(%dma_start3A_222 : memref<1x1024xf32, #tpu.memory_space<vmem>>) target(%dma_start3A_220 : memref<1x1024xf32, #tpu.memory_space<hbm>>) target_semaphore(%arg8 : memref<!tpu.dma_semaphore, #tpu.memory_space<semaphore_mem>>)
      %slice3A_223 = vector.extract_strided_slice %get3A_30 {offsets = [13], sizes = [1], strides = [1]} : vector<16xi32> to vector<1xi32>
      %squeeze3A_224 = vector.extract %slice3A_223[0] : i32 from vector<1xi32>
      %mul3A_225 = arith.constant 16 : i32
      %mul3A_226 = arith.muli %while3A_26, %mul3A_225 : i32
      %add3A_227 = arith.addi %select_n3A, %mul3A_226 : i32
      %add3A_228 = arith.constant 13 : i32
      %add3A_229 = arith.addi %add3A_227, %add3A_228 : i32
      %dma_start3A_230 = arith.constant 0 : i32
      %dma_start3A_231 = tpu.memref_slice %arg6[%squeeze3A_224, %dma_start3A_230] : memref<13x1024xf32, #tpu.memory_space<vmem>> -> memref<1x1024xf32, #tpu.memory_space<vmem>>
      %dma_start3A_232 = arith.constant 0 : i32
      %dma_start3A_233 = tpu.memref_slice %arg4[%add3A_229, %dma_start3A_232] : memref<16384x1024xf32, #tpu.memory_space<hbm>> -> memref<1x1024xf32, #tpu.memory_space<hbm>>
      %dma_start3A_234 = arith.constant 0 : i32
      %dma_start3A_235 = tpu.memref_slice %arg4[%add3A_229, %dma_start3A_234] : memref<16384x1024xf32, #tpu.memory_space<hbm>> -> memref<1x1024xf32, #tpu.memory_space<hbm>>
      %dma_start3A_236 = arith.constant 0 : i32
      %dma_start3A_237 = tpu.memref_slice %arg6[%squeeze3A_224, %dma_start3A_236] : memref<13x1024xf32, #tpu.memory_space<vmem>> -> memref<1x1024xf32, #tpu.memory_space<vmem>>
      tpu.enqueue_dma source(%dma_start3A_237 : memref<1x1024xf32, #tpu.memory_space<vmem>>) target(%dma_start3A_235 : memref<1x1024xf32, #tpu.memory_space<hbm>>) target_semaphore(%arg8 : memref<!tpu.dma_semaphore, #tpu.memory_space<semaphore_mem>>)
      %slice3A_238 = vector.extract_strided_slice %get3A_30 {offsets = [14], sizes = [1], strides = [1]} : vector<16xi32> to vector<1xi32>
      %squeeze3A_239 = vector.extract %slice3A_238[0] : i32 from vector<1xi32>
      %mul3A_240 = arith.constant 16 : i32
      %mul3A_241 = arith.muli %while3A_26, %mul3A_240 : i32
      %add3A_242 = arith.addi %select_n3A, %mul3A_241 : i32
      %add3A_243 = arith.constant 14 : i32
      %add3A_244 = arith.addi %add3A_242, %add3A_243 : i32
      %dma_start3A_245 = arith.constant 0 : i32
      %dma_start3A_246 = tpu.memref_slice %arg6[%squeeze3A_239, %dma_start3A_245] : memref<13x1024xf32, #tpu.memory_space<vmem>> -> memref<1x1024xf32, #tpu.memory_space<vmem>>
      %dma_start3A_247 = arith.constant 0 : i32
      %dma_start3A_248 = tpu.memref_slice %arg4[%add3A_244, %dma_start3A_247] : memref<16384x1024xf32, #tpu.memory_space<hbm>> -> memref<1x1024xf32, #tpu.memory_space<hbm>>
      %dma_start3A_249 = arith.constant 0 : i32
      %dma_start3A_250 = tpu.memref_slice %arg4[%add3A_244, %dma_start3A_249] : memref<16384x1024xf32, #tpu.memory_space<hbm>> -> memref<1x1024xf32, #tpu.memory_space<hbm>>
      %dma_start3A_251 = arith.constant 0 : i32
      %dma_start3A_252 = tpu.memref_slice %arg6[%squeeze3A_239, %dma_start3A_251] : memref<13x1024xf32, #tpu.memory_space<vmem>> -> memref<1x1024xf32, #tpu.memory_space<vmem>>
      tpu.enqueue_dma source(%dma_start3A_252 : memref<1x1024xf32, #tpu.memory_space<vmem>>) target(%dma_start3A_250 : memref<1x1024xf32, #tpu.memory_space<hbm>>) target_semaphore(%arg8 : memref<!tpu.dma_semaphore, #tpu.memory_space<semaphore_mem>>)
      %slice3A_253 = vector.extract_strided_slice %get3A_30 {offsets = [15], sizes = [1], strides = [1]} : vector<16xi32> to vector<1xi32>
      %squeeze3A_254 = vector.extract %slice3A_253[0] : i32 from vector<1xi32>
      %mul3A_255 = arith.constant 16 : i32
      %mul3A_256 = arith.muli %while3A_26, %mul3A_255 : i32
      %add3A_257 = arith.addi %select_n3A, %mul3A_256 : i32
      %add3A_258 = arith.constant 15 : i32
      %add3A_259 = arith.addi %add3A_257, %add3A_258 : i32
      %dma_start3A_260 = arith.constant 0 : i32
      %dma_start3A_261 = tpu.memref_slice %arg6[%squeeze3A_254, %dma_start3A_260] : memref<13x1024xf32, #tpu.memory_space<vmem>> -> memref<1x1024xf32, #tpu.memory_space<vmem>>
      %dma_start3A_262 = arith.constant 0 : i32
      %dma_start3A_263 = tpu.memref_slice %arg4[%add3A_259, %dma_start3A_262] : memref<16384x1024xf32, #tpu.memory_space<hbm>> -> memref<1x1024xf32, #tpu.memory_space<hbm>>
      %dma_start3A_264 = arith.constant 0 : i32
      %dma_start3A_265 = tpu.memref_slice %arg4[%add3A_259, %dma_start3A_264] : memref<16384x1024xf32, #tpu.memory_space<hbm>> -> memref<1x1024xf32, #tpu.memory_space<hbm>>
      %dma_start3A_266 = arith.constant 0 : i32
      %dma_start3A_267 = tpu.memref_slice %arg6[%squeeze3A_254, %dma_start3A_266] : memref<13x1024xf32, #tpu.memory_space<vmem>> -> memref<1x1024xf32, #tpu.memory_space<vmem>>
      tpu.enqueue_dma source(%dma_start3A_267 : memref<1x1024xf32, #tpu.memory_space<vmem>>) target(%dma_start3A_265 : memref<1x1024xf32, #tpu.memory_space<hbm>>) target_semaphore(%arg8 : memref<!tpu.dma_semaphore, #tpu.memory_space<semaphore_mem>>)
    }
    %while3A_16 = arith.constant 0 : i32
    %while3A_17 = arith.constant 0 : i32
    %while3A_18 = arith.subi %select_n3A_6, %while3A_17 : i32
    %while3A_19 = arith.addi %while3A_17, %while3A_18 : i32
    %while3A_20 = arith.constant 1 : i32
    %while3A_21 = arith.divsi %while3A_18, %while3A_20 : i32
    %while3A_22 = arith.muli %while3A_21, %while3A_20 : i32
    %while3A_23 = arith.addi %while3A_17, %while3A_22 : i32
    %while3A_24 = arith.constant 1 : i32
    scf.for %while3A_26 = %while3A_17 to %while3A_23 step %while3A_24  : i32 {
      %dma_wait3A = arith.constant 0 : i32
      %dma_wait3A_27 = tpu.memref_slice %arg4[%select_n3A, %dma_wait3A] : memref<16384x1024xf32, #tpu.memory_space<hbm>> -> memref<16x1024xf32, #tpu.memory_space<hbm>>
      %dma_wait3A_28 = arith.constant 0 : i32
      %dma_wait3A_29 = tpu.memref_slice %arg4[%select_n3A, %dma_wait3A_28] : memref<16384x1024xf32, #tpu.memory_space<hbm>> -> memref<16x1024xf32, #tpu.memory_space<hbm>>
      tpu.wait_dma2 semaphore(%arg8 : memref<!tpu.dma_semaphore, #tpu.memory_space<semaphore_mem>>) src(%arg7 : memref<16x1024xf32, #tpu.memory_space<vmem>>) dst(%dma_wait3A_29 : memref<16x1024xf32, #tpu.memory_space<hbm>>)
    }
    %while3A_25 = arith.constant 1 : i32
    scf.for %while3A_26 = %while3A_23 to %while3A_19 step %while3A_25  : i32 {
      %dma_wait3A = arith.constant 0 : i32
      %dma_wait3A_27 = tpu.memref_slice %arg4[%select_n3A, %dma_wait3A] : memref<16384x1024xf32, #tpu.memory_space<hbm>> -> memref<16x1024xf32, #tpu.memory_space<hbm>>
      %dma_wait3A_28 = arith.constant 0 : i32
      %dma_wait3A_29 = tpu.memref_slice %arg4[%select_n3A, %dma_wait3A_28] : memref<16384x1024xf32, #tpu.memory_space<hbm>> -> memref<16x1024xf32, #tpu.memory_space<hbm>>
      tpu.wait_dma2 semaphore(%arg8 : memref<!tpu.dma_semaphore, #tpu.memory_space<semaphore_mem>>) src(%arg7 : memref<16x1024xf32, #tpu.memory_space<vmem>>) dst(%dma_wait3A_29 : memref<16x1024xf32, #tpu.memory_space<hbm>>)
    }
    return
  }
}

</mosaic_0001>

<sc_bundles>
// kernel: kernel.3.cloned.1.call-start
scs
__scs_entry_jumppad:
0x0: {  	(pc) =	sbr.rel $0x88, $3  }
0x1: {  	(tag) =	ssettag $0x0;
	lr =	simm.s32 $0x1  }
0x2: {  	[smem:$0x3F9F] =	sst lr;
	_ =	strace $0xD0000000  }
0x3: {  	_ = 	snop  }
0x4: {  	_ = 	snop  }
0x5: {  	_ = 	snop  }
0x6: {  	_ = 	snop  }
0x7: {  	_ = 	snop  }
__scs_overlays_trampoline_lowered:
0x8: {  	[smem:$0x3FAE] =	sst s0  }
0x9: {  	[smem:$0x3FAF] =	sst s1  }
0xa: {  	[smem:$0x3FB0] =	sst s2  }
0xb: {  	[smem:$0x3FB1] =	sst s3  }
0xc: {  	[smem:$0x3FB2] =	sst s4  }
0xd: {  	[smem:$0x3FB3] =	sst s5  }
0xe: {  	[smem:$0x3FB4] =	sst s6  }
0xf: {  	[smem:$0x3FB5] =	sst s7  }
0x10: {  	[smem:$0x3FB6] =	sst s8  }
0x11: {  	[smem:$0x3FB7] =	sst s9;
	s0 =	simm.s32 @!p0 $0x0  }
0x12: {  	s1 =	sld [smem:$0x3F9D];
	s0 =	simm.s32 @p0 $0x1  }
0x13: {  	[smem:$0x3FB8] =	sst s0;
	s0 =	simm.s32 @!p1 $0x0  }
0x14: {  	s2 =	sld [smem:$0x3F9C];
	s0 =	simm.s32 @p1 $0x1  }
0x15: {  	[smem:$0x3FB9] =	sst s0;
	s0 =	simm.s32 @!p2 $0x0  }
0x16: {  	s3 =	sld [smem:$0x3FDB];
	s0 =	simm.s32 @p2 $0x1  }
0x17: {  	s4 =	simm.s32 $0x1BF5;
	[smem:$0x3FBB] =	sst s0  }
0x18: {  	s0 =	sld [smem:$0x3F9E];
	_ =	swait.ge [sflag:s4], $0x0  }
0x19: {  	s7 =	sld [smem:$0x3F9F]  }
0x1a: {  	s8 =	sadd.s32 $0xFFFFE003, lr  }
0x1b: {  	s9 =	sadd.s32 $0xFFFFFEF7, lr;
	s5 =	simm.s32 $0xFFFFFFFF;
	p2 =	slt.u32 s8, $0xFFFFF086  }
0x1c: {  	p1 =	slt.u32 s9, $0xF7A;
	s5 =	simm.s32 @!p2 $0x0  }
0x1d: {  	s5 =	simm.s32 @p1 $0x1;
	p0 =	seq.s32 s7, s2  }
0x1e: {  	s7 =	smul.u32 @!p0 $0xF7A, s2;
	p2 =	seq.s32 @!p0 s5, $0x0  }
0x1f: {  	s9 =	smul.u32 $0xF7A, s1;
	s8 =	simm.s32 @!p0 $0x1BF5;
	p2 =	por !p2, p0  }
0x20: {  	[sflag:s8] =	ssyncset.s32 @!p0 $0xFFFFF086;
	s6 =	sadd.s32 @!p0 s3, s7;
	s7 =	simm.s32 @!p0 $0x108  }
0x21: {  	s3 =	sadd.s32 s3, s9;
	s6 =	sadd.s32 @!p0 $0x88, s6;
	s7 =	simm.s32 @p2 $0x1082  }
0x22: {  	[simem:s7], [sflag:s8] =	dma.local @!p0 [hbm:s6], $0xF7A  }
0x23: {  	s9 =	sor.u32 $0xD0000000, s2;
	s6 =	simm.s32 $0x108;
	_ =	swait.ge @!p0 [sflag:s8], $0x0  }
0x24: {  	s3 =	sadd.s32 $0x88, s3;
	s6 =	simm.s32 @!p1 $0x1082;
	[sflag:s4] =	ssyncset.s32 $0xFFFFF086  }
0x25: {  	[simem:s6], [sflag:s4] =	dma.local [hbm:s3], $0xF7A  }
0x26: {  	[smem:$0x3F9F] =	sst s1;
	(tag) =	ssettag s2;
	_ =	strace s9  }
0x27: {  	s1 =	sld [smem:$0x3FAF]  }
0x28: {  	s2 =	sld [smem:$0x3FB0]  }
0x29: {  	s4 =	sld [smem:$0x3FB2]  }
0x2a: {  	p0 =	seq.s32 s5, $0x0;
	s5 =	sld [smem:$0x3FB3]  }
0x2b: {  	s6 =	sld [smem:$0x3FB4]  }
0x2c: {  	s7 =	sld [smem:$0x3FB5]  }
0x2d: {  	s3 =	simm.s32 $0x108;
	s8 =	sld [smem:$0x3FB6]  }
0x2e: {  	s3 =	simm.s32 @!p0 $0x1082;
	s9 =	sld [smem:$0x3FB7]  }
0x2f: {  	lr =	sadd.s32 s0, s3;
	s0 =	sld [smem:$0x3FAE]  }
0x30: {  	s3 =	sld [smem:$0x3FB1]  }
0x31: {  	[smem:$0x3FBA] =	sst s10  }
0x32: {  	s10 =	sld [smem:$0x3FB8];
	_ =	sdelay $0x3  }
0x33: {  	p0 =	seq.s32 s10, $0x1;
	s10 =	sld [smem:$0x3FBA];
	_ =	sdelay $0x3  }
0x34: {  	[smem:$0x3FBA] =	sst s10  }
0x35: {  	s10 =	sld [smem:$0x3FB9];
	_ =	sdelay $0x3  }
0x36: {  	p1 =	seq.s32 s10, $0x1;
	s10 =	sld [smem:$0x3FBA];
	_ =	sdelay $0x3  }
0x37: {  	[smem:$0x3FBA] =	sst s10  }
0x38: {  	s10 =	sld [smem:$0x3FBB]  }
0x39: {  	_ = 	snop;
	(pc) =	sbr.ind lr, $3  }
0x3a: {  	_ = 	snop  }
0x3b: {  	_ = 	snop  }
0x3c: {  	p2 =	seq.s32 s10, $0x1;
	s10 =	sld [smem:$0x3FBA]  }
0x3d: {  	_ =	shalt  }
0x3e: {  	_ =	shalt  }
0x3f: {  	_ =	shalt  }
0x40: {  	_ =	shalt  }
0x41: {  	_ =	shalt  }
0x42: {  	_ =	shalt  }
0x43: {  	_ =	shalt  }
0x44: {  	_ =	shalt  }
0x45: {  	_ =	shalt  }
0x46: {  	_ =	shalt  }
0x47: {  	_ =	shalt  }
0x48: {  	_ =	shalt  }
0x49: {  	_ =	shalt  }
0x4a: {  	_ =	shalt  }
0x4b: {  	_ =	shalt  }
0x4c: {  	_ =	shalt  }
0x4d: {  	_ =	shalt  }
0x4e: {  	_ =	shalt  }
0x4f: {  	_ =	shalt  }
0x50: {  	_ =	shalt  }
0x51: {  	_ =	shalt  }
0x52: {  	_ =	shalt  }
0x53: {  	_ =	shalt  }
0x54: {  	_ =	shalt  }
0x55: {  	_ =	shalt  }
0x56: {  	_ =	shalt  }
0x57: {  	_ =	shalt  }
0x58: {  	_ =	shalt  }
0x59: {  	_ =	shalt  }
0x5a: {  	_ =	shalt  }
0x5b: {  	_ =	shalt  }
0x5c: {  	_ =	shalt  }
0x5d: {  	_ =	shalt  }
0x5e: {  	_ =	shalt  }
0x5f: {  	_ =	shalt  }
0x60: {  	_ =	shalt  }
0x61: {  	_ =	shalt  }
0x62: {  	_ =	shalt  }
0x63: {  	_ =	shalt  }
0x64: {  	_ =	shalt  }
0x65: {  	_ =	shalt  }
0x66: {  	_ =	shalt  }
0x67: {  	_ =	shalt  }
0x68: {  	_ =	shalt  }
0x69: {  	_ =	shalt  }
0x6a: {  	_ =	shalt  }
0x6b: {  	_ =	shalt  }
0x6c: {  	_ =	shalt  }
0x6d: {  	_ =	shalt  }
0x6e: {  	_ =	shalt  }
0x6f: {  	_ =	shalt  }
0x70: {  	_ =	shalt  }
0x71: {  	_ =	shalt  }
0x72: {  	_ =	shalt  }
0x73: {  	_ =	shalt  }
0x74: {  	_ =	shalt  }
0x75: {  	_ =	shalt  }
0x76: {  	_ =	shalt  }
0x77: {  	_ =	shalt  }
0x78: {  	_ =	shalt  }
0x79: {  	_ =	shalt  }
0x7a: {  	_ =	shalt  }
0x7b: {  	_ =	shalt  }
0x7c: {  	_ =	shalt  }
0x7d: {  	_ =	shalt  }
0x7e: {  	_ =	shalt  }
0x7f: {  	_ =	shalt  }
0x80: {  	_ =	shalt  }
0x81: {  	_ =	shalt  }
0x82: {  	_ =	shalt  }
0x83: {  	_ =	shalt  }
0x84: {  	_ =	shalt  }
0x85: {  	_ =	shalt  }
0x86: {  	_ =	shalt  }
0x87: {  	_ =	shalt  }
.Lfunc_end0:
.L_simem_size_0:
called_computation_lowered:
.L_overlay_start_0:
0x88: {  	s2 =	sld [smem:$0x3FD9]  }
0x89: {  	s3 =	sld [smem:$0x3FFE];
	_ =	sdelay $0x1  }
0x8a: {  	s1 =	srdreg.scid  }
0x8b: {  	s0 =	sand.u32 $0x1, s1  }
0x8c: {  	s17 =	sshll.u32 s0, $0xA;
	s2 =	sadd.s32 s3, s2  }
0x8d: {  	s2 =	sadd.s32 s2, s17  }
0x8e: {  	[smem:$0x3FC6] =	sst s2  }
0x8f: {  	_ = 	snop  }
0x90: {  	s2 =	sld [smem:$0x3FC9]  }
0x91: {  	s18 =	sld [smem:$0x3FD0];
	(tm) =	ssettm $0x1  }
0x92: {  	s4 =	sld [smem:$0x3FFB];
	_ =	sdelay $0x3  }
0x93: {  	_ =	strace s4  }
0x94: {  	s4 =	sld [smem:$0x3FFC];
	_ =	sdelay $0x3  }
0x95: {  	_ =	strace s4  }
0x96: {  	s4 =	sld [smem:$0x3FFD];
	_ =	sdelay $0x3  }
0x97: {  	_ =	strace s4  }
0x98: {  	_ =	strace $0x8FFFFFFF  }
0x99: {  	s19 =	sld [smem:$0x3FDB];
	_ =	sdelay $0x1  }
0x9a: {  	s5 =	simm.s32 $_scs_section_size  }
0x9b: {  	s6 =	simm.s32 $_size__tile_overlayer_lowered;
	s7 =	simm.s32 $_tile_overlayer_lowered  }
0x9c: {  	s22 =	simm.s32 $0x1BFF;
	s21 =	sshll.u32 s7, $0x1;
	s4 =	sadd.s32 s5, s19  }
0x9d: {  	s8 =	simm.s32 $0x0;
	s20 =	sshll.u32 s6, $0x1;
	s6 =	sadd.s32 s21, s4  }
0x9e: {  	[timem:s8], [sflag:s22] =	dma.local [hbm:s6], s20  }
0x9f: {  	_ =	swait.ge [sflag:s22], s20  }
0xa0: {  	s5 =	ssub.s32 $0x0, s20;
	[sflag:s22] =	ssyncset.done $0x0  }
0xa1: {  	[sflag:s22] =	ssyncadd.s32 s5;
	_ =	sdelay $0x1  }
0xa2: {  	s23 =	simm.s32 $0x1B8B  }
0xa3: {  	_ =	swait.ge [sflag:s23], $0x1  }
0xa4: {  	[sflag:s23] =	ssyncset.done $0x0  }
0xa5: {  	s25 =	simm.s32 $0x1B8E;
	s24 =	sld [smem:$0x3FFE];
	[sflag:s23] =	ssyncadd.s32 $0xFFFFFFFF  }
0xa6: {  	s26 =	simm.s32 $execute0_lowered;
	[smem:$0x3FD2] =	sst s25  }
0xa7: {  	s6 =	sshll.u32 s26, $0x1;
	_ =	strace $0x80000046;
	[dreg:$0x1] =	wrdreg $0xFFFFFFFF  }
0xa8: {  	s28 =	simm.s32 $_size_execute0_lowered;
	s4 =	sadd.s32 s4, s6;
	[dreg:$0x0] =	wrdreg $0x0  }
0xa9: {  	s6 =	sshll.u32 s28, $0x1;
	[dreg:$0x2] =	wrdreg s4  }
0xaa: {  	[dreg:$0x3] =	wrdreg s6  }
0xab: {  	[dreg:$0x4] =	wrdreg $0xC0  }
0xac: {  	_ =	task [dreg:s8], $0x5FFFF  }
0xad: {  	[dreg:$0x1] =	wrdreg $0xFFFFFFFF  }
0xae: {  	[dreg:$0x0] =	wrdreg $0x60  }
0xaf: {  	[dreg:$0x2] =	wrdreg s2  }
0xb0: {  	[dreg:$0x3] =	wrdreg s24  }
0xb1: {  	[dreg:$0x4] =	wrdreg s18  }
0xb2: {  	[dreg:$0x5] =	wrdreg $0x9  }
0xb3: {  	_ =	task.clear_ibuf [dreg:s8], $0x6FFFF;
	_ =	strace $0x90000046  }
0xb4: {  	s29 =	simm.s32 $0x9;
	_ =	strace $0x80000048  }
0xb5: {  	_ =	swait.ge [sflag:s29], $0x1  }
0xb6: {  	[sflag:s29] =	ssyncadd.s32 $0xFFFFFFFF  }
0xb7: {  	_ =	strace $0x90000048  }
0xb8: {  	_ =	sfence  }
0xb9: {  	s30 =	sld [smem:$0x0];
	_ =	sdelay $0x2  }
0xba: {  	s31 =	sshll.u32 s1, $0xD;
	s1 =	sshrl.u32 s1, $0x2  }
0xbb: {  	s3 =	sand.u32 $0x4000, s31;
	s1 =	sadd.s32 s1, s30  }
0xbc: {  	s0 =	sor.u32 s3, s0;
	s1 =	sshll.u32 s1, $0x11  }
0xbd: {  	s0 =	sor.u32 s1, s0  }
0xbe: {  	s0 =	sadd.s32 $0x8F2B, s0  }
0xbf: {  	[sflag:s0] =	ssyncadd.remote.s32 $0x1  }
0xc0: {  	_ =	sfence.sel $0xFFFF  }
0xc1: {  	[dreg:$0x0] =	wrdreg $0xFFFFFFFF;
	(pc) =	sbr.abs _section_cstart, $3  }
0xc2: {  	[dreg:$0x1] =	wrdreg $0xFFFFFFFF  }
0xc3: {  	_ =	task.clear_ibuf [dreg:s8], $0x2FFFF;
	_ =	strace $0x9FFFFFFF  }
0xc4: {  	(tm) =	ssettm $0x7FFFFFFF  }
0xc5: {  	_ =	shalt  }
tec
execute0_lowered:
.L_overlay_start_1:
0x0: {  	(tag) =	ssettag $0x1  }
0x1: {  	s5 =	rddreg [dreg:$0x0]  }
0x2: {  	s3 =	rddreg [dreg:$0x1]  }
0x3: {  	s6 =	rddreg [dreg:$0x2]  }
0x4: {  	s0 =	rddreg [dreg:$0x3]  }
0x5: {  	s2 =	simm.s32 $0x0;
	s4 =	srdreg.scid;
	s1 =	stileid.u32  }
0x6: {  	[smem:$0x7FF] =	sst s2;
	s8 =	smul.u32 $0x220, s1  }
0x7: {  	s4 =	sand.u32 $0x1, s4;
	s3 =	sadd.s32 $0x400, s3;
	s10 =	smul.u32 $0x1E0, s1  }
0x8: {  	_ =	strace $0x80000047;
	s7 =	ssub.s32 $0x2, s4;
	p0 =	seq.s32 s4, $0x0  }
0x9: {  	s4 =	simm.s32 $0x1E;
	s9 =	sshrl.u32 s7, $0x1;
	s8 =	sadd.s32 $0x1E00, s8  }
0xa: {  	s4 =	simm.s32 @!p0 $0x22;
	s7 =	ssub.s32 s7, s9;
	s8 =	smov.u32 @p0 s10  }
0xb: {  	s31 =	sshll.u32 s4, $0xB;
	s9 =	simm.s32 $0x1;
	s10 =	simm.s32 $0x0  }
0xc: {  	s30 =	sshrl.u32 s8, $0x3;
	s8 =	sshll.u32 s8, $0x7;
	[dreg:$0x5] =	wrdreg s31  }
0xd: {  	s5 =	sadd.s32 s5, s30;
	s8 =	sadd.s32 s8, s6;
	s6 =	smax.u32 s7, $0x1  }
0xe: {  	s7 =	simm.s32 $0x220;
	[dreg:$0x4] =	wrdreg s8;
	s8 =	simm.s32 $0x2  }
.LBB2_1:
0xf: {  	[tilespmem:s7], [sflag:$0x2] =	stream.linear.gather [hbm4b:s3+s2], $0x3400, $0x38;
	[tilespmem:$0x3620] =	vst v63  }
0x10: {  	_ =	swait.ge [sflag:s8], $0x3400  }
0x11: {  	[sflag:s8] =	ssyncset.done $0x0  }
0x12: {  	[sflag:s8] =	ssyncadd.s32 $0xFFFFCC00  }
0x13: {  	[tilespmem:s2], [sflag:$0x2] =	stream.linear.gather [hbm4b:s5+s2], $0x220, $0x38;
	[tilespmem:$0x3620] =	vst v63  }
0x14: {  	_ =	swait.ge [sflag:s8], $0x220  }
0x15: {  	[sflag:s8] =	ssyncset.done $0x0  }
0x16: {  	[sflag:s8] =	ssyncadd.s32 $0xFFFFFDE0  }
0x17: {  	v0 =	vld [tilespmem:s2+$0x0];
	_ =	sdelay $0x4  }
0x18: {  	v0 =	vshll.u32 v0, $0xC  }
0x19: {  	v0 =	vshra.s32 v0, $0x2  }
0x1a: {  	(v2sf) =	vpush v0, $0x0  }
0x1b: {  	(v2sf) =	vpush v0, $0x1;
	_ =	sdelay $0x1  }
0x1c: {  	(v2sf) =	vpush v0, $0x2;
	_ =	sdelay $0x1  }
0x1d: {  	(v2sf) =	vpush v0, $0x3;
	_ =	sdelay $0x1  }
0x1e: {  	(v2sf) =	vpush v0, $0x4;
	_ =	sdelay $0x1  }
0x1f: {  	(v2sf) =	vpush v0, $0x5;
	_ =	sdelay $0x1  }
0x20: {  	(v2sf) =	vpush v0, $0x6;
	_ =	sdelay $0x1  }
0x21: {  	(v2sf) =	vpush v0, $0x7  }
0x22: {  	s11 =	rddreg [dreg:$0x4]  }
0x23: {  	s12 =	rddreg [dreg:$0x5];
	s14 =	spop (v2sf);
	(v2sf) =	vpush v0, $0x8  }
0x24: {  	s13 =	sadd.s32 $0x0, s11;
	s19 =	sor.u32 $0x220, s14;
	s20 =	spop (v2sf)  }
0x25: {  	(v2sf) =	vpush v0, $0x9;
	[hbm4b:s13+s2] =	stream.linear.scatter [tilespmem:s19], [sflag:$0x1], $0x400, $0x38;
	[tilespmem:$0x3620] =	vst v63  }
0x26: {  	s21 =	sadd.s32 $0x80, s13;
	s14 =	sor.u32 $0x220, s20;
	s15 =	spop (v2sf)  }
0x27: {  	(v2sf) =	vpush v0, $0xA;
	[hbm4b:s21+s2] =	stream.linear.scatter [tilespmem:s14], [sflag:$0x1], $0x400, $0x38;
	[tilespmem:$0x3620] =	vst v63  }
0x28: {  	s22 =	sadd.s32 $0x100, s13;
	s23 =	sor.u32 $0x220, s15;
	s24 =	spop (v2sf)  }
0x29: {  	(v2sf) =	vpush v0, $0xB;
	[hbm4b:s22+s2] =	stream.linear.scatter [tilespmem:s23], [sflag:$0x1], $0x400, $0x38;
	[tilespmem:$0x3620] =	vst v63  }
0x2a: {  	s25 =	sadd.s32 $0x180, s13;
	s26 =	sor.u32 $0x220, s24;
	s28 =	spop (v2sf)  }
0x2b: {  	(v2sf) =	vpush v0, $0xC;
	[hbm4b:s25+s2] =	stream.linear.scatter [tilespmem:s26], [sflag:$0x1], $0x400, $0x38;
	[tilespmem:$0x3620] =	vst v63  }
0x2c: {  	s29 =	sadd.s32 $0x200, s13;
	s30 =	sor.u32 $0x220, s28;
	s31 =	spop (v2sf)  }
0x2d: {  	(v2sf) =	vpush v0, $0xD;
	[hbm4b:s29+s2] =	stream.linear.scatter [tilespmem:s30], [sflag:$0x1], $0x400, $0x38;
	[tilespmem:$0x3620] =	vst v63  }
0x2e: {  	s16 =	sadd.s32 $0x280, s13;
	s17 =	sor.u32 $0x220, s31;
	s18 =	spop (v2sf)  }
0x2f: {  	[hbm4b:s16+s2] =	stream.linear.scatter [tilespmem:s17], [sflag:$0x1], $0x400, $0x38;
	[tilespmem:$0x3620] =	vst v63  }
0x30: {  	s19 =	sadd.s32 $0x300, s13;
	s20 =	sor.u32 $0x220, s18;
	s21 =	spop (v2sf)  }
0x31: {  	(v2sf) =	vpush v0, $0xE;
	[hbm4b:s19+s2] =	stream.linear.scatter [tilespmem:s20], [sflag:$0x1], $0x400, $0x38;
	[tilespmem:$0x3620] =	vst v63  }
0x32: {  	s22 =	sadd.s32 $0x380, s13;
	s23 =	sor.u32 $0x220, s21;
	s24 =	spop (v2sf)  }
0x33: {  	[hbm4b:s22+s2] =	stream.linear.scatter [tilespmem:s23], [sflag:$0x1], $0x400, $0x38;
	[tilespmem:$0x3620] =	vst v63  }
0x34: {  	s25 =	sadd.s32 $0x400, s13;
	(v2sf) =	vpush v0, $0xF;
	s26 =	sor.u32 $0x220, s24;
	s28 =	spop (v2sf)  }
0x35: {  	[hbm4b:s25+s2] =	stream.linear.scatter [tilespmem:s26], [sflag:$0x1], $0x400, $0x38;
	[tilespmem:$0x3620] =	vst v63  }
0x36: {  	s29 =	sadd.s32 $0x480, s13;
	s30 =	sor.u32 $0x220, s28;
	s31 =	spop (v2sf)  }
0x37: {  	[hbm4b:s29+s2] =	stream.linear.scatter [tilespmem:s30], [sflag:$0x1], $0x400, $0x38;
	[tilespmem:$0x3620] =	vst v63  }
0x38: {  	s16 =	sadd.s32 $0x500, s13;
	s17 =	sor.u32 $0x220, s31;
	s18 =	spop (v2sf)  }
0x39: {  	[hbm4b:s16+s2] =	stream.linear.scatter [tilespmem:s17], [sflag:$0x1], $0x400, $0x38;
	[tilespmem:$0x3620] =	vst v63  }
0x3a: {  	s19 =	sadd.s32 $0x580, s13;
	s20 =	sor.u32 $0x220, s18;
	s21 =	spop (v2sf)  }
0x3b: {  	[hbm4b:s19+s2] =	stream.linear.scatter [tilespmem:s20], [sflag:$0x1], $0x400, $0x38;
	[tilespmem:$0x3620] =	vst v63  }
0x3c: {  	s22 =	sadd.s32 $0x600, s13;
	s23 =	sor.u32 $0x220, s21;
	s24 =	spop (v2sf)  }
0x3d: {  	[hbm4b:s22+s2] =	stream.linear.scatter [tilespmem:s23], [sflag:$0x1], $0x400, $0x38;
	[tilespmem:$0x3620] =	vst v63  }
0x3e: {  	p0 =	sne.s32 s12, $0x800;
	s25 =	sadd.s32 $0x680, s13;
	s26 =	sor.u32 $0x220, s24  }
0x3f: {  	[hbm4b:s25+s2] =	stream.linear.scatter [tilespmem:s26], [sflag:$0x1], $0x400, $0x38;
	[tilespmem:$0x3620] =	vst v63  }
.Ltmp0:
0x40: {  	s28 =	spop (v2sf);
	(pc) =	sbr.rel @!p0 .LBB2_3-.Ltmp0, $4  }
0x41: {  	s29 =	sadd.s32 $0x700, s13;
	s30 =	sor.u32 $0x220, s28  }
0x42: {  	[hbm4b:s29+s2] =	stream.linear.scatter [tilespmem:s30], [sflag:$0x1], $0x400, $0x38;
	[tilespmem:$0x3620] =	vst v63  }
0x43: {  	s11 =	simm.s32 $0x800;
	s31 =	spop (v2sf)  }
0x44: {  	s12 =	simm.s32 $0x10;
	s14 =	sadd.s32 $0x780, s13;
	s15 =	sor.u32 $0x220, s31  }
.LBB2_2:
0x45: {  	[hbm4b:s14+s2] =	stream.linear.scatter [tilespmem:s15], [sflag:$0x1], $0x400, $0x38;
	[tilespmem:$0x3620] =	vst v63  }
0x46: {  	v0 =	vld [tilespmem:s12+$0x0];
	_ =	sdelay $0x4  }
0x47: {  	v0 =	vshll.u32 v0, $0xC  }
0x48: {  	v0 =	vshra.s32 v0, $0x2  }
0x49: {  	(v2sf) =	vpush v0, $0x0  }
0x4a: {  	(v2sf) =	vpush v0, $0x1;
	_ =	sdelay $0x1  }
0x4b: {  	(v2sf) =	vpush v0, $0x2;
	_ =	sdelay $0x1  }
0x4c: {  	(v2sf) =	vpush v0, $0x3;
	_ =	sdelay $0x1  }
0x4d: {  	(v2sf) =	vpush v0, $0x4;
	_ =	sdelay $0x1  }
0x4e: {  	(v2sf) =	vpush v0, $0x5;
	_ =	sdelay $0x1  }
0x4f: {  	(v2sf) =	vpush v0, $0x6;
	_ =	sdelay $0x1  }
0x50: {  	s18 =	rddreg [dreg:$0x4];
	(v2sf) =	vpush v0, $0x7  }
0x51: {  	s17 =	smov.u32 s11;
	s11 =	sadd.s32 $0x800, s11;
	s13 =	rddreg [dreg:$0x5]  }
0x52: {  	s12 =	sadd.s32 $0x10, s12;
	s14 =	sadd.s32 s17, s18;
	s16 =	spop (v2sf);
	(v2sf) =	vpush v0, $0x8  }
0x53: {  	p0 =	sne.s32 s13, s11;
	s19 =	sor.u32 $0x220, s16;
	s20 =	spop (v2sf)  }
0x54: {  	(v2sf) =	vpush v0, $0x9;
	[hbm4b:s14+s2] =	stream.linear.scatter [tilespmem:s19], [sflag:$0x1], $0x400, $0x38;
	[tilespmem:$0x3620] =	vst v63  }
0x55: {  	s21 =	sadd.s32 $0x80, s14;
	s16 =	sor.u32 $0x220, s20;
	s17 =	spop (v2sf)  }
0x56: {  	(v2sf) =	vpush v0, $0xA;
	[hbm4b:s21+s2] =	stream.linear.scatter [tilespmem:s16], [sflag:$0x1], $0x400, $0x38;
	[tilespmem:$0x3620] =	vst v63  }
0x57: {  	s22 =	sadd.s32 $0x100, s14;
	s23 =	sor.u32 $0x220, s17;
	s24 =	spop (v2sf)  }
0x58: {  	(v2sf) =	vpush v0, $0xB;
	[hbm4b:s22+s2] =	stream.linear.scatter [tilespmem:s23], [sflag:$0x1], $0x400, $0x38;
	[tilespmem:$0x3620] =	vst v63  }
0x59: {  	s25 =	sadd.s32 $0x180, s14;
	s26 =	sor.u32 $0x220, s24;
	s28 =	spop (v2sf)  }
0x5a: {  	(v2sf) =	vpush v0, $0xC;
	[hbm4b:s25+s2] =	stream.linear.scatter [tilespmem:s26], [sflag:$0x1], $0x400, $0x38;
	[tilespmem:$0x3620] =	vst v63  }
0x5b: {  	s29 =	sadd.s32 $0x200, s14;
	s30 =	sor.u32 $0x220, s28;
	s31 =	spop (v2sf)  }
0x5c: {  	(v2sf) =	vpush v0, $0xD;
	[hbm4b:s29+s2] =	stream.linear.scatter [tilespmem:s30], [sflag:$0x1], $0x400, $0x38;
	[tilespmem:$0x3620] =	vst v63  }
0x5d: {  	s16 =	sadd.s32 $0x280, s14;
	s17 =	sor.u32 $0x220, s31;
	s18 =	spop (v2sf)  }
0x5e: {  	(v2sf) =	vpush v0, $0xE;
	[hbm4b:s16+s2] =	stream.linear.scatter [tilespmem:s17], [sflag:$0x1], $0x400, $0x38;
	[tilespmem:$0x3620] =	vst v63  }
0x5f: {  	s19 =	sadd.s32 $0x300, s14;
	s20 =	sor.u32 $0x220, s18;
	s21 =	spop (v2sf);
	(v2sf) =	vpush v0, $0xF  }
0x60: {  	[hbm4b:s19+s2] =	stream.linear.scatter [tilespmem:s20], [sflag:$0x1], $0x400, $0x38;
	[tilespmem:$0x3620] =	vst v63  }
0x61: {  	s22 =	sadd.s32 $0x380, s14;
	s23 =	sor.u32 $0x220, s21;
	s24 =	spop (v2sf)  }
0x62: {  	[hbm4b:s22+s2] =	stream.linear.scatter [tilespmem:s23], [sflag:$0x1], $0x400, $0x38;
	[tilespmem:$0x3620] =	vst v63  }
0x63: {  	s25 =	sadd.s32 $0x400, s14;
	s26 =	sor.u32 $0x220, s24;
	s28 =	spop (v2sf)  }
0x64: {  	[hbm4b:s25+s2] =	stream.linear.scatter [tilespmem:s26], [sflag:$0x1], $0x400, $0x38;
	[tilespmem:$0x3620] =	vst v63  }
0x65: {  	s29 =	sadd.s32 $0x480, s14;
	s30 =	sor.u32 $0x220, s28;
	s31 =	spop (v2sf)  }
0x66: {  	[hbm4b:s29+s2] =	stream.linear.scatter [tilespmem:s30], [sflag:$0x1], $0x400, $0x38;
	[tilespmem:$0x3620] =	vst v63  }
0x67: {  	s16 =	sadd.s32 $0x500, s14;
	s17 =	sor.u32 $0x220, s31;
	s18 =	spop (v2sf)  }
0x68: {  	[hbm4b:s16+s2] =	stream.linear.scatter [tilespmem:s17], [sflag:$0x1], $0x400, $0x38;
	[tilespmem:$0x3620] =	vst v63  }
0x69: {  	s19 =	sadd.s32 $0x580, s14;
	s20 =	sor.u32 $0x220, s18;
	s21 =	spop (v2sf)  }
0x6a: {  	[hbm4b:s19+s2] =	stream.linear.scatter [tilespmem:s20], [sflag:$0x1], $0x400, $0x38;
	[tilespmem:$0x3620] =	vst v63  }
0x6b: {  	s22 =	sadd.s32 $0x600, s14;
	s23 =	sor.u32 $0x220, s21;
	s24 =	spop (v2sf)  }
0x6c: {  	[hbm4b:s22+s2] =	stream.linear.scatter [tilespmem:s23], [sflag:$0x1], $0x400, $0x38;
	[tilespmem:$0x3620] =	vst v63  }
.Ltmp1:
0x6d: {  	s25 =	sadd.s32 $0x680, s14;
	s28 =	spop (v2sf);
	(pc) =	sbr.rel @p0 .LBB2_2-.Ltmp1, $4  }
0x6e: {  	s29 =	sadd.s32 $0x700, s14;
	s26 =	sor.u32 $0x220, s24;
	s31 =	spop (v2sf)  }
0x6f: {  	[hbm4b:s25+s2] =	stream.linear.scatter [tilespmem:s26], [sflag:$0x1], $0x400, $0x38;
	[tilespmem:$0x3620] =	vst v63  }
0x70: {  	s14 =	sadd.s32 $0x780, s14;
	s30 =	sor.u32 $0x220, s28;
	s15 =	sor.u32 $0x220, s31  }
0x71: {  	[hbm4b:s29+s2] =	stream.linear.scatter [tilespmem:s30], [sflag:$0x1], $0x400, $0x38;
	[tilespmem:$0x3620] =	vst v63  }
.LBB2_3:
0x72: {  	p0 =	sne.s32 s4, $0x1  }
.Ltmp2:
0x73: {  	_ = 	snop;
	(pc) =	sbr.rel @!p0 .LBB2_5-.Ltmp2, $4  }
0x74: {  	_ = 	snop  }
0x75: {  	[hbm4b:s14+s2] =	stream.linear.scatter [tilespmem:s15], [sflag:$0x1], $0x400, $0x38;
	[tilespmem:$0x3620] =	vst v63  }
0x76: {  	_ =	swait.ge [sflag:s9], $0x4000  }
0x77: {  	s11 =	sadd.s32 $0xFFFFFFFF, s4;
	[sflag:s9] =	ssyncset.done $0x0  }
.LBB2_4:
0x78: {  	p0 =	sne.s32 s11, $0x1;
	s11 =	sadd.s32 $0xFFFFFFFF, s11;
	[sflag:s9] =	ssyncadd.s32 $0xFFFFC000  }
.Ltmp3:
0x79: {  	(pc) =	sbr.rel @p0 .LBB2_4-.Ltmp3, $3  }
0x7a: {  	_ =	sdelay $0x1  }
0x7b: {  	_ =	swait.ge [sflag:s9], $0x4000  }
0x7c: {  	[sflag:s9] =	ssyncset.done $0x0  }
.LBB2_5:
0x7d: {  	s10 =	sadd.s32 $0x1, s10  }
0x7e: {  	p0 =	sne.s32 s10, s6  }
.Ltmp4:
0x7f: {  	_ = 	snop;
	(pc) =	sbr.rel @p0 .LBB2_1-.Ltmp4, $2  }
0x80: {  	_ =	sdelay $0x2  }
0x81: {  	[sflag:s9] =	ssyncadd.s32 $0xFFFFC000  }
0x82: {  	_ =	sfence.sel $0x180000  }
0x83: {  	[bflag:$0x0] =	sbarrier.arrive $0xFFFF  }
0x84: {  	p0 =	sne.s32 s1, $0x0;
	_ =	strace $0x90000047  }
0x85: {  	s0 =	sadd.s32 @!p0 $0x100000, s0;
	[bflag:$0x2] =	sbarrier.arrive $0xFFFF  }
0x86: {  	[sflag:s0] =	ssyncadd.tile.s32 @!p0 $0x1;
	_ =	shalt  }
.Lfunc_end2:
_tile_overlayer_lowered:
.L_overlay_start_2:
0x87: {  	(tag) =	ssettag $0x2  }
0x88: {  	s0 =	rddreg [dreg:$0x0];
	s2 =	stileid.u32  }
0x89: {  	s1 =	rddreg [dreg:$0x1];
	p0 =	sne.s32 s2, $0x0  }
0x8a: {  	s3 =	rddreg [dreg:$0x2];
	[bflag:$0x3] =	sbarrier.arrive $0xFFFF;
	s2 =	simm.s32 @!p0 $0x1C02  }
0x8b: {  	[timem:s3], [sflag:s2] =	dma.local @!p0 [hbm:s0], s1  }
0x8c: {  	s0 =	simm.s32 @!p0 $0x2  }
0x8d: {  	_ =	swait.ge @!p0 [sflag:s0], s1  }
0x8e: {  	s1 =	ssub.s32 @!p0 $0x0, s1;
	[sflag:s0] =	ssyncset.done @!p0 $0x0  }
0x8f: {  	[sflag:s0] =	ssyncadd.s32 @!p0 s1  }
0x90: {  	[bflag:$0x3] =	sbarrier.arrive $0xFFFF  }
0x91: {  	_ =	shalt  }

</sc_bundles>
